<compile_context>
chip_gen: v7x
topology: tpu7x:2x2x1
jax: 0.10.2.dev20260603
libtpu: 0.0.44.dev20260713+nightly
codegen_flags: <defaults>
</compile_context>

<pallas_src>
import functools

import jax
import jax.numpy as jnp
from jax import lax
from jax.experimental import pallas as pl
from jax.experimental.pallas import tpu as pltpu
from jax.experimental.pallas import tpu_sc as plsc

_NC = 2
_NS = 16
_NW = _NC * _NS


def _sc_gather_packed(flat_ids, table, chunk_rows):
    n = flat_ids.shape[0]
    e = table.shape[1]
    n2 = n // 2
    per_w = n2 // _NW
    n_chunks = per_w // chunk_rows

    mesh = plsc.VectorSubcoreMesh(
        core_axis_name="c", subcore_axis_name="s", num_cores=_NC, num_subcores=_NS
    )

    @functools.partial(
        pl.kernel,
        out_type=jax.ShapeDtypeStruct((n2, 2 * e), jnp.float32),
        mesh=mesh,
        scratch_types=[
            pltpu.VMEM((chunk_rows,), jnp.int32),
            pltpu.VMEM((chunk_rows,), jnp.int32),
            pltpu.VMEM((chunk_rows, e), jnp.float32),
            pltpu.VMEM((chunk_rows, e), jnp.float32),
            pltpu.SemaphoreType.DMA,
        ],
        compiler_params=pltpu.CompilerParams(use_tc_tiling_on_sc=False),
    )
    def gather_kernel(ids_hbm, table_hbm, out_hbm, idx_l, idx_r, lv, rv, sem):
        wid = lax.axis_index("s") * _NC + lax.axis_index("c")
        base = wid * per_w

        def body(i, carry):
            off = pl.multiple_of(base + i * chunk_rows, 8)
            pltpu.sync_copy(ids_hbm.at[pl.ds(off, chunk_rows)], idx_l)
            pltpu.sync_copy(ids_hbm.at[pl.ds(n2 + off, chunk_rows)], idx_r)
            cl = pltpu.async_copy(table_hbm.at[idx_l], lv, sem)
            cr = pltpu.async_copy(table_hbm.at[idx_r], rv, sem)
            cl.wait()
            cr.wait()
            pltpu.sync_copy(lv, out_hbm.at[pl.ds(off, chunk_rows), pl.ds(0, e)])
            pltpu.sync_copy(rv, out_hbm.at[pl.ds(off, chunk_rows), pl.ds(e, e)])
            return carry

        lax.fori_loop(0, n_chunks, body, 0)

    return gather_kernel(flat_ids, table)


def _tc_add_ln(xp, pos_tiled, gamma, beta, b, l, e, bb):
    b2 = b // 2
    rb = bb * l

    def body(x_ref, pos_ref, g_ref, b_ref, o_ref):
        x = x_ref[...] + pos_ref[...]
        g = g_ref[...]
        bt = b_ref[...]
        for h in range(2):
            xh = x[:, h * e:(h + 1) * e]
            mean = jnp.mean(xh, axis=-1, keepdims=True)
            c = xh - mean
            var = jnp.mean(c * c, axis=-1, keepdims=True)
            inv = lax.rsqrt(var + 1e-5)
            o_ref[h] = (c * inv * g + bt).reshape(bb, l, e)

    return pl.pallas_call(
        body,
        grid=(b2 // bb,),
        in_specs=[
            pl.BlockSpec((rb, 2 * e), lambda i: (i, 0)),
            pl.BlockSpec((rb, 2 * e), lambda i: (0, 0)),
            pl.BlockSpec((1, e), lambda i: (0, 0)),
            pl.BlockSpec((1, e), lambda i: (0, 0)),
        ],
        out_specs=pl.BlockSpec((2, bb, l, e), lambda i: (0, i, 0, 0)),
        out_shape=jax.ShapeDtypeStruct((2, b2, l, e), jnp.float32),
        compiler_params=pltpu.CompilerParams(vmem_limit_bytes=100 * 1024 * 1024),
    )(xp, pos_tiled, gamma.reshape(1, e), beta.reshape(1, e))


def kernel(input_ids, token_type_ids, word_table, pos_table, type_table, ln_gamma, ln_beta):
    b, l = input_ids.shape
    e = word_table.shape[1]
    bb = 32
    ctable = jnp.concatenate(
        [word_table + type_table[0], word_table + type_table[1]], axis=1
    ).reshape(-1, e)
    cids = (input_ids * 2 + token_type_ids).reshape(b * l)
    xp = _sc_gather_packed(cids, ctable, chunk_rows=800)
    pos_tiled = jnp.tile(pos_table[:l], (bb, 2))
    out = _tc_add_ln(xp, pos_tiled, ln_gamma, ln_beta, b, l, e, bb)
    return out.reshape(b, l, e)

# --- scband reference (transcript-rebuilt; emitter-appended) ---
"""Pipeline reference for scband-embeddings-with-token-types-28604482191799 (READ-ONLY COPY).

The authoritative reference and input builder live on the scoring server;
editing this copy changes nothing except your own understanding.
"""

import jax, jax.numpy as jnp
import numpy as np

VOCAB = 100000
TOKEN_TYPES = 2
EMBED = 64
PAD_ID = 0
MAX_POS = 512
B, L = 4096, 200


def setup_inputs(seed: int = 0) -> dict:
    key = jax.random.key(seed)
    k_ids, k_tt, k_w, k_p, k_t, k_g, k_b = jax.random.split(key, 7)
    input_ids = jax.random.randint(k_ids, (B, L), 0, VOCAB, dtype=jnp.int64 if jax.config.read('jax_enable_x64') else jnp.int32).astype(jnp.int32)
    token_type_ids = jax.random.randint(k_tt, (B, L), 0, TOKEN_TYPES).astype(jnp.int32)
    word_table = jax.random.normal(k_w, (VOCAB, EMBED), dtype=jnp.float32) * 0.02
    word_table = word_table.at[PAD_ID].set(0.0)  # padding_idx row zeroed
    pos_table = jax.random.normal(k_p, (MAX_POS, EMBED), dtype=jnp.float32) * 0.02
    type_table = jax.random.normal(k_t, (TOKEN_TYPES, EMBED), dtype=jnp.float32) * 0.02
    ln_gamma = jnp.ones((EMBED,), dtype=jnp.float32)
    ln_beta = jnp.zeros((EMBED,), dtype=jnp.float32)
    return {
        'input_ids': input_ids,
        'token_type_ids': token_type_ids,
        'word_table': word_table,
        'pos_table': pos_table,
        'type_table': type_table,
        'ln_gamma': ln_gamma,
        'ln_beta': ln_beta,
    }


def _layernorm(x, gamma, beta, eps=1e-5):
    mean = jnp.mean(x, axis=-1, keepdims=True)
    var = jnp.mean(jnp.square(x - mean), axis=-1, keepdims=True)
    return (x - mean) / jnp.sqrt(var + eps) * gamma + beta


def reference(input_ids, token_type_ids, word_table, pos_table, type_table, ln_gamma, ln_beta):
    seq_len = input_ids.shape[1]
    word_emb = jnp.take(word_table, input_ids, axis=0)            # [B, L, E] gather
    pos_emb = pos_table[:seq_len]                                  # [L, E], broadcast over batch
    type_emb = jnp.take(type_table, token_type_ids, axis=0)       # [B, L, E] gather
    embeddings = word_emb + pos_emb[None, :, :] + type_emb
    return _layernorm(embeddings, ln_gamma, ln_beta)

if __name__ == "__main__":
    import jax
    _d = setup_inputs()
    print(jax.jit(kernel)(*tuple(_d.values())))

</pallas_src>

<mosaic_0001>
#map = affine_map<(d0, d1) -> (0)>
#map1 = affine_map<(d0, d1) -> (0, 0)>
module attributes {stable_mosaic.version = 14 : i64} {
  func.func @gather_kernel(%arg0: i32, %arg1: i32, %arg2: memref<819200xi32, #tpu.memory_space<hbm>>, %arg3: memref<200000x64xf32, #tpu.memory_space<hbm>>, %arg4: memref<409600x128xf32, #tpu.memory_space<hbm>>, %arg5: memref<800xi32, #tpu.memory_space<vmem>>, %arg6: memref<800xi32, #tpu.memory_space<vmem>>, %arg7: memref<800x64xf32, #tpu.memory_space<vmem>>, %arg8: memref<800x64xf32, #tpu.memory_space<vmem>>, %arg9: memref<!tpu.dma_semaphore, #tpu.memory_space<semaphore_mem>>) attributes {dimension_semantics = [#tpu.dimension_semantics<core_parallel>, #tpu.dimension_semantics<subcore_parallel>], iteration_bounds = array<i64: 2, 16>, scalar_prefetch = 0 : i64, scratch_operands = 5 : i64, tpu.core_type = #tpu.core_type<sc_vector_subcore>, window_params = [{transform_indices = #map}, {transform_indices = #map1}, {transform_indices = #map1}]} {
    %mul3A = arith.constant 2 : i32
    %mul3A_0 = arith.muli %arg1, %mul3A : i32
    %add3A = arith.addi %mul3A_0, %arg0 : i32
    %mul3A_1 = arith.constant 12800 : i32
    %mul3A_2 = arith.muli %add3A, %mul3A_1 : i32
    %scan3A = arith.constant 0 : i32
    %scan3A_3 = arith.constant 0 : i32
    %scan3A_4 = arith.constant 16 : i32
    %scan3A_5 = arith.addi %scan3A_3, %scan3A_4 : i32
    %scan3A_6 = arith.constant 1 : i32
    scf.for %scan3A_8 = %scan3A_3 to %scan3A_5 step %scan3A_6  : i32 {
      %mul3A_9 = arith.constant 800 : i32
      %mul3A_10 = arith.muli %scan3A_8, %mul3A_9 : i32
      %add3A_11 = arith.addi %mul3A_2, %mul3A_10 : i32
      %multiple_of3A = tpu.assume_multiple %add3A_11, 8 : i32
      "tpu.region"() ({
        %run_scoped3A = tpu.sem_alloc : memref<!tpu.dma_semaphore, #tpu.memory_space<semaphore_mem>>
        %dma_start3A_24 = tpu.memref_slice %arg2[%multiple_of3A] : memref<819200xi32, #tpu.memory_space<hbm>> -> memref<800xi32, #tpu.memory_space<hbm>>
        %dma_start3A_25 = tpu.memref_slice %arg2[%multiple_of3A] : memref<819200xi32, #tpu.memory_space<hbm>> -> memref<800xi32, #tpu.memory_space<hbm>>
        tpu.enqueue_dma source(%dma_start3A_25 : memref<800xi32, #tpu.memory_space<hbm>>) target(%arg5 : memref<800xi32, #tpu.memory_space<vmem>>) target_semaphore(%run_scoped3A : memref<!tpu.dma_semaphore, #tpu.memory_space<semaphore_mem>>)
        %dma_wait3A_26 = tpu.memref_slice %arg2[%multiple_of3A] : memref<819200xi32, #tpu.memory_space<hbm>> -> memref<800xi32, #tpu.memory_space<hbm>>
        %dma_wait3A_27 = tpu.memref_slice %arg2[%multiple_of3A] : memref<819200xi32, #tpu.memory_space<hbm>> -> memref<800xi32, #tpu.memory_space<hbm>>
        tpu.wait_dma2 semaphore(%run_scoped3A : memref<!tpu.dma_semaphore, #tpu.memory_space<semaphore_mem>>) src(%dma_wait3A_27 : memref<800xi32, #tpu.memory_space<hbm>>) dst(%arg5 : memref<800xi32, #tpu.memory_space<vmem>>)
        tpu.yield
      }) : () -> ()
      %add3A_12 = arith.constant 409600 : i32
      %add3A_13 = arith.addi %add3A_12, %multiple_of3A : i32
      "tpu.region"() ({
        %run_scoped3A = tpu.sem_alloc : memref<!tpu.dma_semaphore, #tpu.memory_space<semaphore_mem>>
        %dma_start3A_24 = tpu.memref_slice %arg2[%add3A_13] : memref<819200xi32, #tpu.memory_space<hbm>> -> memref<800xi32, #tpu.memory_space<hbm>>
        %dma_start3A_25 = tpu.memref_slice %arg2[%add3A_13] : memref<819200xi32, #tpu.memory_space<hbm>> -> memref<800xi32, #tpu.memory_space<hbm>>
        tpu.enqueue_dma source(%dma_start3A_25 : memref<800xi32, #tpu.memory_space<hbm>>) target(%arg6 : memref<800xi32, #tpu.memory_space<vmem>>) target_semaphore(%run_scoped3A : memref<!tpu.dma_semaphore, #tpu.memory_space<semaphore_mem>>)
        %dma_wait3A_26 = tpu.memref_slice %arg2[%add3A_13] : memref<819200xi32, #tpu.memory_space<hbm>> -> memref<800xi32, #tpu.memory_space<hbm>>
        %dma_wait3A_27 = tpu.memref_slice %arg2[%add3A_13] : memref<819200xi32, #tpu.memory_space<hbm>> -> memref<800xi32, #tpu.memory_space<hbm>>
        tpu.wait_dma2 semaphore(%run_scoped3A : memref<!tpu.dma_semaphore, #tpu.memory_space<semaphore_mem>>) src(%dma_wait3A_27 : memref<800xi32, #tpu.memory_space<hbm>>) dst(%arg6 : memref<800xi32, #tpu.memory_space<vmem>>)
        tpu.yield
      }) : () -> ()
      %dma_start3A = arith.constant 0 : i32
      %dma_start3A_14 = arith.constant 0 : i32
      %dma_start3A_15 = tpu.memref_slice %arg3[%dma_start3A, %dma_start3A_14] : memref<200000x64xf32, #tpu.memory_space<hbm>> -> memref<200000x64xf32, #tpu.memory_space<hbm>>
      tpu.enqueue_indirect_dma source(%dma_start3A_15 : memref<200000x64xf32, #tpu.memory_space<hbm>>) target(%arg7 : memref<800x64xf32, #tpu.memory_space<vmem>>) offsets(%arg5 : memref<800xi32, #tpu.memory_space<vmem>>) semaphore(%arg9 : memref<!tpu.dma_semaphore, #tpu.memory_space<semaphore_mem>>)
      %dma_start3A_16 = arith.constant 0 : i32
      %dma_start3A_17 = arith.constant 0 : i32
      %dma_start3A_18 = tpu.memref_slice %arg3[%dma_start3A_16, %dma_start3A_17] : memref<200000x64xf32, #tpu.memory_space<hbm>> -> memref<200000x64xf32, #tpu.memory_space<hbm>>
      tpu.enqueue_indirect_dma source(%dma_start3A_18 : memref<200000x64xf32, #tpu.memory_space<hbm>>) target(%arg8 : memref<800x64xf32, #tpu.memory_space<vmem>>) offsets(%arg6 : memref<800xi32, #tpu.memory_space<vmem>>) semaphore(%arg9 : memref<!tpu.dma_semaphore, #tpu.memory_space<semaphore_mem>>)
      %dma_wait3A = arith.constant 0 : i32
      %dma_wait3A_19 = arith.constant 0 : i32
      %dma_wait3A_20 = tpu.memref_slice %arg3[%dma_wait3A, %dma_wait3A_19] : memref<200000x64xf32, #tpu.memory_space<hbm>> -> memref<200000x64xf32, #tpu.memory_space<hbm>>
      tpu.wait_indirect_dma semaphore(%arg9 : memref<!tpu.dma_semaphore, #tpu.memory_space<semaphore_mem>>) src(%dma_wait3A_20 : memref<200000x64xf32, #tpu.memory_space<hbm>>) dst(%arg7 : memref<800x64xf32, #tpu.memory_space<vmem>>)
      %dma_wait3A_21 = arith.constant 0 : i32
      %dma_wait3A_22 = arith.constant 0 : i32
      %dma_wait3A_23 = tpu.memref_slice %arg3[%dma_wait3A_21, %dma_wait3A_22] : memref<200000x64xf32, #tpu.memory_space<hbm>> -> memref<200000x64xf32, #tpu.memory_space<hbm>>
      tpu.wait_indirect_dma semaphore(%arg9 : memref<!tpu.dma_semaphore, #tpu.memory_space<semaphore_mem>>) src(%dma_wait3A_23 : memref<200000x64xf32, #tpu.memory_space<hbm>>) dst(%arg8 : memref<800x64xf32, #tpu.memory_space<vmem>>)
      "tpu.region"() ({
        %run_scoped3A = tpu.sem_alloc : memref<!tpu.dma_semaphore, #tpu.memory_space<semaphore_mem>>
        %dma_start3A_24 = arith.constant 0 : i32
        %dma_start3A_25 = tpu.memref_slice %arg4[%multiple_of3A, %dma_start3A_24] : memref<409600x128xf32, #tpu.memory_space<hbm>> -> memref<800x64xf32, #tpu.memory_space<hbm>>
        %dma_start3A_26 = arith.constant 0 : i32
        %dma_start3A_27 = tpu.memref_slice %arg4[%multiple_of3A, %dma_start3A_26] : memref<409600x128xf32, #tpu.memory_space<hbm>> -> memref<800x64xf32, #tpu.memory_space<hbm>>
        tpu.enqueue_dma source(%arg7 : memref<800x64xf32, #tpu.memory_space<vmem>>) target(%dma_start3A_27 : memref<800x64xf32, #tpu.memory_space<hbm>>) target_semaphore(%run_scoped3A : memref<!tpu.dma_semaphore, #tpu.memory_space<semaphore_mem>>)
        %dma_wait3A_28 = arith.constant 0 : i32
        %dma_wait3A_29 = tpu.memref_slice %arg4[%multiple_of3A, %dma_wait3A_28] : memref<409600x128xf32, #tpu.memory_space<hbm>> -> memref<800x64xf32, #tpu.memory_space<hbm>>
        %dma_wait3A_30 = arith.constant 0 : i32
        %dma_wait3A_31 = tpu.memref_slice %arg4[%multiple_of3A, %dma_wait3A_30] : memref<409600x128xf32, #tpu.memory_space<hbm>> -> memref<800x64xf32, #tpu.memory_space<hbm>>
        tpu.wait_dma2 semaphore(%run_scoped3A : memref<!tpu.dma_semaphore, #tpu.memory_space<semaphore_mem>>) src(%arg7 : memref<800x64xf32, #tpu.memory_space<vmem>>) dst(%dma_wait3A_31 : memref<800x64xf32, #tpu.memory_space<hbm>>)
        tpu.yield
      }) : () -> ()
      "tpu.region"() ({
        %run_scoped3A = tpu.sem_alloc : memref<!tpu.dma_semaphore, #tpu.memory_space<semaphore_mem>>
        %dma_start3A_24 = arith.constant 64 : i32
        %dma_start3A_25 = tpu.memref_slice %arg4[%multiple_of3A, %dma_start3A_24] : memref<409600x128xf32, #tpu.memory_space<hbm>> -> memref<800x64xf32, #tpu.memory_space<hbm>>
        %dma_start3A_26 = arith.constant 64 : i32
        %dma_start3A_27 = tpu.memref_slice %arg4[%multiple_of3A, %dma_start3A_26] : memref<409600x128xf32, #tpu.memory_space<hbm>> -> memref<800x64xf32, #tpu.memory_space<hbm>>
        tpu.enqueue_dma source(%arg8 : memref<800x64xf32, #tpu.memory_space<vmem>>) target(%dma_start3A_27 : memref<800x64xf32, #tpu.memory_space<hbm>>) target_semaphore(%run_scoped3A : memref<!tpu.dma_semaphore, #tpu.memory_space<semaphore_mem>>)
        %dma_wait3A_28 = arith.constant 64 : i32
        %dma_wait3A_29 = tpu.memref_slice %arg4[%multiple_of3A, %dma_wait3A_28] : memref<409600x128xf32, #tpu.memory_space<hbm>> -> memref<800x64xf32, #tpu.memory_space<hbm>>
        %dma_wait3A_30 = arith.constant 64 : i32
        %dma_wait3A_31 = tpu.memref_slice %arg4[%multiple_of3A, %dma_wait3A_30] : memref<409600x128xf32, #tpu.memory_space<hbm>> -> memref<800x64xf32, #tpu.memory_space<hbm>>
        tpu.wait_dma2 semaphore(%run_scoped3A : memref<!tpu.dma_semaphore, #tpu.memory_space<semaphore_mem>>) src(%arg8 : memref<800x64xf32, #tpu.memory_space<vmem>>) dst(%dma_wait3A_31 : memref<800x64xf32, #tpu.memory_space<hbm>>)
        tpu.yield
      }) : () -> ()
    }
    %scan3A_7 = arith.constant 16 : i32
    return
  }
}

module attributes {stable_mosaic.version = 14 : i64} {
  func.func @body(%arg0: i32, %arg1: memref<6400x128xf32, #tpu.memory_space<vmem>>, %arg2: memref<6400x128xf32, #tpu.memory_space<vmem>>, %arg3: memref<1x64xf32, #tpu.memory_space<vmem>>, %arg4: memref<1x64xf32, #tpu.memory_space<vmem>>, %arg5: memref<2x32x200x64xf32, #tpu.memory_space<vmem>>) attributes {dimension_semantics = [#tpu.dimension_semantics<arbitrary>], iteration_bounds = array<i64: 64>, scalar_prefetch = 0 : i64, scratch_operands = 0 : i64, tpu.core_type = #tpu.core_type<tc>, window_params = [{transform_indices = @transform_0, window_bounds = array<i64: 6400, 128>}, {pipeline_mode = #tpu.pipeline_mode<synchronous>, transform_indices = @transform_1, window_bounds = array<i64: 6400, 128>}, {pipeline_mode = #tpu.pipeline_mode<synchronous>, transform_indices = @transform_2, window_bounds = array<i64: 1, 64>}, {pipeline_mode = #tpu.pipeline_mode<synchronous>, transform_indices = @transform_3, window_bounds = array<i64: 1, 64>}, {transform_indices = @transform_4, window_bounds = array<i64: 2, 32, 200, 64>}]} {
    %get3A = arith.constant 0 : index
    %get3A_0 = arith.constant 0 : index
    %get3A_1 = vector.load %arg1[%get3A, %get3A_0] : memref<6400x128xf32, #tpu.memory_space<vmem>>, vector<6400x128xf32>
    %get3A_2 = arith.constant 0 : index
    %get3A_3 = arith.constant 0 : index
    %get3A_4 = vector.load %arg2[%get3A_2, %get3A_3] : memref<6400x128xf32, #tpu.memory_space<vmem>>, vector<6400x128xf32>
    %add3A = arith.addf %get3A_1, %get3A_4 : vector<6400x128xf32>
    %get3A_5 = arith.constant 0 : index
    %get3A_6 = arith.constant 0 : index
    %get3A_7 = vector.load %arg3[%get3A_5, %get3A_6] : memref<1x64xf32, #tpu.memory_space<vmem>>, vector<1x64xf32>
    %get3A_8 = arith.constant 0 : index
    %get3A_9 = arith.constant 0 : index
    %get3A_10 = vector.load %arg4[%get3A_8, %get3A_9] : memref<1x64xf32, #tpu.memory_space<vmem>>, vector<1x64xf32>
    %slice3A = vector.extract_strided_slice %add3A {offsets = [0, 0], sizes = [6400, 64], strides = [1, 1]} : vector<6400x128xf32> to vector<6400x64xf32>
    %reduce_sum3A = arith.constant dense<0.000000e+00> : vector<6400xf32>
    %reduce_sum3A_11 = vector.multi_reduction <add>, %slice3A, %reduce_sum3A [1] : vector<6400x64xf32> to vector<6400xf32>
    %broadcast_in_dim3A = vector.shape_cast %reduce_sum3A_11 : vector<6400xf32> to vector<6400x1xf32>
    %div3A = arith.constant 6.400000e+01 : f32
    %div3A_12 = vector.broadcast %div3A : f32 to vector<6400x1xf32>
    %div3A_13 = arith.divf %broadcast_in_dim3A, %div3A_12 : vector<6400x1xf32>
    %sub3A = vector.broadcast %div3A_13 : vector<6400x1xf32> to vector<6400x64xf32>
    %sub3A_14 = arith.subf %slice3A, %sub3A : vector<6400x64xf32>
    %mul3A = arith.mulf %sub3A_14, %sub3A_14 : vector<6400x64xf32>
    %reduce_sum3A_15 = arith.constant dense<0.000000e+00> : vector<6400xf32>
    %reduce_sum3A_16 = vector.multi_reduction <add>, %mul3A, %reduce_sum3A_15 [1] : vector<6400x64xf32> to vector<6400xf32>
    %broadcast_in_dim3A_17 = vector.shape_cast %reduce_sum3A_16 : vector<6400xf32> to vector<6400x1xf32>
    %div3A_18 = arith.constant 6.400000e+01 : f32
    %div3A_19 = vector.broadcast %div3A_18 : f32 to vector<6400x1xf32>
    %div3A_20 = arith.divf %broadcast_in_dim3A_17, %div3A_19 : vector<6400x1xf32>
    %add3A_21 = arith.constant 9.99999974E-6 : f32
    %add3A_22 = vector.broadcast %add3A_21 : f32 to vector<6400x1xf32>
    %add3A_23 = arith.addf %div3A_20, %add3A_22 : vector<6400x1xf32>
    %rsqrt3A = math.rsqrt %add3A_23 : vector<6400x1xf32>
    %mul3A_24 = vector.broadcast %rsqrt3A : vector<6400x1xf32> to vector<6400x64xf32>
    %mul3A_25 = arith.mulf %sub3A_14, %mul3A_24 : vector<6400x64xf32>
    %mul3A_26 = vector.broadcast %get3A_7 : vector<1x64xf32> to vector<6400x64xf32>
    %mul3A_27 = arith.mulf %mul3A_25, %mul3A_26 : vector<6400x64xf32>
    %add3A_28 = vector.broadcast %get3A_10 : vector<1x64xf32> to vector<6400x64xf32>
    %add3A_29 = arith.addf %mul3A_27, %add3A_28 : vector<6400x64xf32>
    %reshape3A = vector.shape_cast %add3A_29 : vector<6400x64xf32> to vector<32x200x64xf32>
    %swap3A = arith.constant 0 : index
    %swap3A_30 = arith.constant 0 : index
    %swap3A_31 = arith.constant 0 : index
    %swap3A_32 = arith.constant 0 : index
    %swap3A_33 = vector.load %arg5[%swap3A, %swap3A_30, %swap3A_31, %swap3A_32] : memref<2x32x200x64xf32, #tpu.memory_space<vmem>>, vector<1x32x200x64xf32>
    %swap3A_34 = vector.shape_cast %swap3A_33 : vector<1x32x200x64xf32> to vector<32x200x64xf32>
    %swap3A_35 = vector.shape_cast %reshape3A : vector<32x200x64xf32> to vector<1x32x200x64xf32>
    tpu.vector_store %arg5[%swap3A, %swap3A_30, %swap3A_31, %swap3A_32], %swap3A_35 {strides = array<i32>} : memref<2x32x200x64xf32, #tpu.memory_space<vmem>>, vector<1x32x200x64xf32>,
    %slice3A_36 = vector.extract_strided_slice %add3A {offsets = [0, 64], sizes = [6400, 64], strides = [1, 1]} : vector<6400x128xf32> to vector<6400x64xf32>
    %reduce_sum3A_37 = arith.constant dense<0.000000e+00> : vector<6400xf32>
    %reduce_sum3A_38 = vector.multi_reduction <add>, %slice3A_36, %reduce_sum3A_37 [1] : vector<6400x64xf32> to vector<6400xf32>
    %broadcast_in_dim3A_39 = vector.shape_cast %reduce_sum3A_38 : vector<6400xf32> to vector<6400x1xf32>
    %div3A_40 = arith.constant 6.400000e+01 : f32
    %div3A_41 = vector.broadcast %div3A_40 : f32 to vector<6400x1xf32>
    %div3A_42 = arith.divf %broadcast_in_dim3A_39, %div3A_41 : vector<6400x1xf32>
    %sub3A_43 = vector.broadcast %div3A_42 : vector<6400x1xf32> to vector<6400x64xf32>
    %sub3A_44 = arith.subf %slice3A_36, %sub3A_43 : vector<6400x64xf32>
    %mul3A_45 = arith.mulf %sub3A_44, %sub3A_44 : vector<6400x64xf32>
    %reduce_sum3A_46 = arith.constant dense<0.000000e+00> : vector<6400xf32>
    %reduce_sum3A_47 = vector.multi_reduction <add>, %mul3A_45, %reduce_sum3A_46 [1] : vector<6400x64xf32> to vector<6400xf32>
    %broadcast_in_dim3A_48 = vector.shape_cast %reduce_sum3A_47 : vector<6400xf32> to vector<6400x1xf32>
    %div3A_49 = arith.constant 6.400000e+01 : f32
    %div3A_50 = vector.broadcast %div3A_49 : f32 to vector<6400x1xf32>
    %div3A_51 = arith.divf %broadcast_in_dim3A_48, %div3A_50 : vector<6400x1xf32>
    %add3A_52 = arith.constant 9.99999974E-6 : f32
    %add3A_53 = vector.broadcast %add3A_52 : f32 to vector<6400x1xf32>
    %add3A_54 = arith.addf %div3A_51, %add3A_53 : vector<6400x1xf32>
    %rsqrt3A_55 = math.rsqrt %add3A_54 : vector<6400x1xf32>
    %mul3A_56 = vector.broadcast %rsqrt3A_55 : vector<6400x1xf32> to vector<6400x64xf32>
    %mul3A_57 = arith.mulf %sub3A_44, %mul3A_56 : vector<6400x64xf32>
    %mul3A_58 = vector.broadcast %get3A_7 : vector<1x64xf32> to vector<6400x64xf32>
    %mul3A_59 = arith.mulf %mul3A_57, %mul3A_58 : vector<6400x64xf32>
    %add3A_60 = vector.broadcast %get3A_10 : vector<1x64xf32> to vector<6400x64xf32>
    %add3A_61 = arith.addf %mul3A_59, %add3A_60 : vector<6400x64xf32>
    %reshape3A_62 = vector.shape_cast %add3A_61 : vector<6400x64xf32> to vector<32x200x64xf32>
    %swap3A_63 = arith.constant 1 : index
    %swap3A_64 = arith.constant 0 : index
    %swap3A_65 = arith.constant 0 : index
    %swap3A_66 = arith.constant 0 : index
    %swap3A_67 = vector.load %arg5[%swap3A_63, %swap3A_64, %swap3A_65, %swap3A_66] : memref<2x32x200x64xf32, #tpu.memory_space<vmem>>, vector<1x32x200x64xf32>
    %swap3A_68 = vector.shape_cast %swap3A_67 : vector<1x32x200x64xf32> to vector<32x200x64xf32>
    %swap3A_69 = vector.shape_cast %reshape3A_62 : vector<32x200x64xf32> to vector<1x32x200x64xf32>
    tpu.vector_store %arg5[%swap3A_63, %swap3A_64, %swap3A_65, %swap3A_66], %swap3A_69 {strides = array<i32>} : memref<2x32x200x64xf32, #tpu.memory_space<vmem>>, vector<1x32x200x64xf32>,
    return
  }
  func.func @transform_0(%arg0: i32) -> (i32, i32) {
    %c0_i32 = arith.constant 0 : i32
    %c0_i32_0 = arith.constant 0 : i32
    return %arg0, %c0_i32 : i32, i32
  }
  func.func @transform_1(%arg0: i32) -> (i32, i32) {
    %c0_i32 = arith.constant 0 : i32
    %c0_i32_0 = arith.constant 0 : i32
    %c0_i32_1 = arith.constant 0 : i32
    return %c0_i32, %c0_i32_0 : i32, i32
  }
  func.func @transform_2(%arg0: i32) -> (i32, i32) {
    %c0_i32 = arith.constant 0 : i32
    %c0_i32_0 = arith.constant 0 : i32
    %c0_i32_1 = arith.constant 0 : i32
    return %c0_i32, %c0_i32_0 : i32, i32
  }
  func.func @transform_3(%arg0: i32) -> (i32, i32) {
    %c0_i32 = arith.constant 0 : i32
    %c0_i32_0 = arith.constant 0 : i32
    %c0_i32_1 = arith.constant 0 : i32
    return %c0_i32, %c0_i32_0 : i32, i32
  }
  func.func @transform_4(%arg0: i32) -> (i32, i32, i32, i32) {
    %c0_i32 = arith.constant 0 : i32
    %c0_i32_0 = arith.constant 0 : i32
    %c0_i32_1 = arith.constant 0 : i32
    %c0_i32_2 = arith.constant 0 : i32
    return %c0_i32, %arg0, %c0_i32_0, %c0_i32_1 : i32, i32, i32, i32
  }
}

</mosaic_0001>

<sc_bundles>
// kernel: kernel.4.cloned.1.call-start
scs
__scs_entry_jumppad:
0x0: {  	(pc) =	sbr.rel $0x88, $3  }
0x1: {  	(tag) =	ssettag $0x0;
	lr =	simm.s32 $0x1  }
0x2: {  	[smem:$0x3F9A] =	sst lr;
	_ =	strace $0xD0000000  }
0x3: {  	_ = 	snop  }
0x4: {  	_ = 	snop  }
0x5: {  	_ = 	snop  }
0x6: {  	_ = 	snop  }
0x7: {  	_ = 	snop  }
__scs_overlays_trampoline_lowered:
0x8: {  	[smem:$0x3FA9] =	sst s0  }
0x9: {  	[smem:$0x3FAA] =	sst s1  }
0xa: {  	[smem:$0x3FAB] =	sst s2  }
0xb: {  	[smem:$0x3FAC] =	sst s3  }
0xc: {  	[smem:$0x3FAD] =	sst s4  }
0xd: {  	[smem:$0x3FAE] =	sst s5  }
0xe: {  	[smem:$0x3FAF] =	sst s6  }
0xf: {  	[smem:$0x3FB0] =	sst s7  }
0x10: {  	[smem:$0x3FB1] =	sst s8  }
0x11: {  	[smem:$0x3FB2] =	sst s9;
	s0 =	simm.s32 @!p0 $0x0  }
0x12: {  	s1 =	sld [smem:$0x3F98];
	s0 =	simm.s32 @p0 $0x1  }
0x13: {  	[smem:$0x3FB3] =	sst s0;
	s0 =	simm.s32 @!p1 $0x0  }
0x14: {  	s2 =	sld [smem:$0x3F97];
	s0 =	simm.s32 @p1 $0x1  }
0x15: {  	[smem:$0x3FB4] =	sst s0;
	s0 =	simm.s32 @!p2 $0x0  }
0x16: {  	s3 =	sld [smem:$0x3FDB];
	s0 =	simm.s32 @p2 $0x1  }
0x17: {  	s4 =	simm.s32 $0x1BF5;
	[smem:$0x3FB6] =	sst s0  }
0x18: {  	s0 =	sld [smem:$0x3F99];
	_ =	swait.ge [sflag:s4], $0x0  }
0x19: {  	s7 =	sld [smem:$0x3F9A]  }
0x1a: {  	s8 =	sadd.s32 $0xFFFFE003, lr  }
0x1b: {  	s9 =	sadd.s32 $0xFFFFFEF7, lr;
	s5 =	simm.s32 $0xFFFFFFFF;
	p2 =	slt.u32 s8, $0xFFFFF086  }
0x1c: {  	p1 =	slt.u32 s9, $0xF7A;
	s5 =	simm.s32 @!p2 $0x0  }
0x1d: {  	s5 =	simm.s32 @p1 $0x1;
	p0 =	seq.s32 s7, s2  }
0x1e: {  	s7 =	smul.u32 @!p0 $0xF7A, s2;
	p2 =	seq.s32 @!p0 s5, $0x0  }
0x1f: {  	s9 =	smul.u32 $0xF7A, s1;
	s8 =	simm.s32 @!p0 $0x1BF5;
	p2 =	por !p2, p0  }
0x20: {  	[sflag:s8] =	ssyncset.s32 @!p0 $0xFFFFF086;
	s6 =	sadd.s32 @!p0 s3, s7;
	s7 =	simm.s32 @!p0 $0x108  }
0x21: {  	s3 =	sadd.s32 s3, s9;
	s6 =	sadd.s32 @!p0 $0x88, s6;
	s7 =	simm.s32 @p2 $0x1082  }
0x22: {  	[simem:s7], [sflag:s8] =	dma.local @!p0 [hbm:s6], $0xF7A  }
0x23: {  	s9 =	sor.u32 $0xD0000000, s2;
	s6 =	simm.s32 $0x108;
	_ =	swait.ge @!p0 [sflag:s8], $0x0  }
0x24: {  	s3 =	sadd.s32 $0x88, s3;
	s6 =	simm.s32 @!p1 $0x1082;
	[sflag:s4] =	ssyncset.s32 $0xFFFFF086  }
0x25: {  	[simem:s6], [sflag:s4] =	dma.local [hbm:s3], $0xF7A  }
0x26: {  	[smem:$0x3F9A] =	sst s1;
	(tag) =	ssettag s2;
	_ =	strace s9  }
0x27: {  	s1 =	sld [smem:$0x3FAA]  }
0x28: {  	s2 =	sld [smem:$0x3FAB]  }
0x29: {  	s4 =	sld [smem:$0x3FAD]  }
0x2a: {  	p0 =	seq.s32 s5, $0x0;
	s5 =	sld [smem:$0x3FAE]  }
0x2b: {  	s6 =	sld [smem:$0x3FAF]  }
0x2c: {  	s7 =	sld [smem:$0x3FB0]  }
0x2d: {  	s3 =	simm.s32 $0x108;
	s8 =	sld [smem:$0x3FB1]  }
0x2e: {  	s3 =	simm.s32 @!p0 $0x1082;
	s9 =	sld [smem:$0x3FB2]  }
0x2f: {  	lr =	sadd.s32 s0, s3;
	s0 =	sld [smem:$0x3FA9]  }
0x30: {  	s3 =	sld [smem:$0x3FAC]  }
0x31: {  	[smem:$0x3FB5] =	sst s10  }
0x32: {  	s10 =	sld [smem:$0x3FB3];
	_ =	sdelay $0x3  }
0x33: {  	p0 =	seq.s32 s10, $0x1;
	s10 =	sld [smem:$0x3FB5];
	_ =	sdelay $0x3  }
0x34: {  	[smem:$0x3FB5] =	sst s10  }
0x35: {  	s10 =	sld [smem:$0x3FB4];
	_ =	sdelay $0x3  }
0x36: {  	p1 =	seq.s32 s10, $0x1;
	s10 =	sld [smem:$0x3FB5];
	_ =	sdelay $0x3  }
0x37: {  	[smem:$0x3FB5] =	sst s10  }
0x38: {  	s10 =	sld [smem:$0x3FB6]  }
0x39: {  	_ = 	snop;
	(pc) =	sbr.ind lr, $3  }
0x3a: {  	_ = 	snop  }
0x3b: {  	_ = 	snop  }
0x3c: {  	p2 =	seq.s32 s10, $0x1;
	s10 =	sld [smem:$0x3FB5]  }
0x3d: {  	_ =	shalt  }
0x3e: {  	_ =	shalt  }
0x3f: {  	_ =	shalt  }
0x40: {  	_ =	shalt  }
0x41: {  	_ =	shalt  }
0x42: {  	_ =	shalt  }
0x43: {  	_ =	shalt  }
0x44: {  	_ =	shalt  }
0x45: {  	_ =	shalt  }
0x46: {  	_ =	shalt  }
0x47: {  	_ =	shalt  }
0x48: {  	_ =	shalt  }
0x49: {  	_ =	shalt  }
0x4a: {  	_ =	shalt  }
0x4b: {  	_ =	shalt  }
0x4c: {  	_ =	shalt  }
0x4d: {  	_ =	shalt  }
0x4e: {  	_ =	shalt  }
0x4f: {  	_ =	shalt  }
0x50: {  	_ =	shalt  }
0x51: {  	_ =	shalt  }
0x52: {  	_ =	shalt  }
0x53: {  	_ =	shalt  }
0x54: {  	_ =	shalt  }
0x55: {  	_ =	shalt  }
0x56: {  	_ =	shalt  }
0x57: {  	_ =	shalt  }
0x58: {  	_ =	shalt  }
0x59: {  	_ =	shalt  }
0x5a: {  	_ =	shalt  }
0x5b: {  	_ =	shalt  }
0x5c: {  	_ =	shalt  }
0x5d: {  	_ =	shalt  }
0x5e: {  	_ =	shalt  }
0x5f: {  	_ =	shalt  }
0x60: {  	_ =	shalt  }
0x61: {  	_ =	shalt  }
0x62: {  	_ =	shalt  }
0x63: {  	_ =	shalt  }
0x64: {  	_ =	shalt  }
0x65: {  	_ =	shalt  }
0x66: {  	_ =	shalt  }
0x67: {  	_ =	shalt  }
0x68: {  	_ =	shalt  }
0x69: {  	_ =	shalt  }
0x6a: {  	_ =	shalt  }
0x6b: {  	_ =	shalt  }
0x6c: {  	_ =	shalt  }
0x6d: {  	_ =	shalt  }
0x6e: {  	_ =	shalt  }
0x6f: {  	_ =	shalt  }
0x70: {  	_ =	shalt  }
0x71: {  	_ =	shalt  }
0x72: {  	_ =	shalt  }
0x73: {  	_ =	shalt  }
0x74: {  	_ =	shalt  }
0x75: {  	_ =	shalt  }
0x76: {  	_ =	shalt  }
0x77: {  	_ =	shalt  }
0x78: {  	_ =	shalt  }
0x79: {  	_ =	shalt  }
0x7a: {  	_ =	shalt  }
0x7b: {  	_ =	shalt  }
0x7c: {  	_ =	shalt  }
0x7d: {  	_ =	shalt  }
0x7e: {  	_ =	shalt  }
0x7f: {  	_ =	shalt  }
0x80: {  	_ =	shalt  }
0x81: {  	_ =	shalt  }
0x82: {  	_ =	shalt  }
0x83: {  	_ =	shalt  }
0x84: {  	_ =	shalt  }
0x85: {  	_ =	shalt  }
0x86: {  	_ =	shalt  }
0x87: {  	_ =	shalt  }
.Lfunc_end0:
.L_simem_size_0:
called_computation.2_lowered:
.L_overlay_start_0:
0x88: {  	s2 =	sld [smem:$0x3FD9]  }
0x89: {  	s3 =	sld [smem:$0x3FFE];
	_ =	sdelay $0x1  }
0x8a: {  	s1 =	srdreg.scid  }
0x8b: {  	s0 =	sand.u32 $0x1, s1  }
0x8c: {  	s17 =	sshll.u32 s0, $0xA;
	s2 =	sadd.s32 s3, s2  }
0x8d: {  	s2 =	sadd.s32 s2, s17  }
0x8e: {  	[smem:$0x3FC1] =	sst s2  }
0x8f: {  	_ = 	snop  }
0x90: {  	s2 =	sld [smem:$0x3FD0];
	(tm) =	ssettm $0x1  }
0x91: {  	s18 =	sld [smem:$0x3FFB];
	_ =	sdelay $0x3  }
0x92: {  	_ =	strace s18  }
0x93: {  	s3 =	sld [smem:$0x3FFC];
	_ =	sdelay $0x3  }
0x94: {  	_ =	strace s3  }
0x95: {  	s3 =	sld [smem:$0x3FFD];
	_ =	sdelay $0x3  }
0x96: {  	_ =	strace s3  }
0x97: {  	_ =	strace $0x8FFFFFFF  }
0x98: {  	s19 =	sld [smem:$0x3FDB];
	_ =	sdelay $0x1  }
0x99: {  	s4 =	simm.s32 $_scs_section_size  }
0x9a: {  	s5 =	simm.s32 $_size__tile_overlayer_lowered;
	s6 =	simm.s32 $_tile_overlayer_lowered  }
0x9b: {  	s22 =	simm.s32 $0x1BFF;
	s21 =	sshll.u32 s6, $0x1;
	s3 =	sadd.s32 s4, s19  }
0x9c: {  	s7 =	simm.s32 $0x0;
	s20 =	sshll.u32 s5, $0x1;
	s5 =	sadd.s32 s21, s3  }
0x9d: {  	[timem:s7], [sflag:s22] =	dma.local [hbm:s5], s20  }
0x9e: {  	_ =	swait.ge [sflag:s22], s20  }
0x9f: {  	s4 =	ssub.s32 $0x0, s20;
	[sflag:s22] =	ssyncset.done $0x0  }
0xa0: {  	[sflag:s22] =	ssyncadd.s32 s4;
	_ =	sdelay $0x1  }
0xa1: {  	s23 =	simm.s32 $0x1B8B  }
0xa2: {  	_ =	swait.ge [sflag:s23], $0x1  }
0xa3: {  	[sflag:s23] =	ssyncset.done $0x0  }
0xa4: {  	s25 =	simm.s32 $0x1B8E;
	s24 =	sld [smem:$0x3FFE];
	[sflag:s23] =	ssyncadd.s32 $0xFFFFFFFF  }
0xa5: {  	s26 =	simm.s32 $execute0_lowered;
	[smem:$0x3FD2] =	sst s25  }
0xa6: {  	s5 =	sshll.u32 s26, $0x1;
	_ =	strace $0x80000049;
	[dreg:$0x1] =	wrdreg $0xFFFFFFFF  }
0xa7: {  	s28 =	simm.s32 $_size_execute0_lowered;
	s3 =	sadd.s32 s3, s5;
	[dreg:$0x0] =	wrdreg $0x0  }
0xa8: {  	s5 =	sshll.u32 s28, $0x1;
	[dreg:$0x2] =	wrdreg s3  }
0xa9: {  	[dreg:$0x3] =	wrdreg s5  }
0xaa: {  	[dreg:$0x4] =	wrdreg $0xC0  }
0xab: {  	_ =	task [dreg:s7], $0x5FFFF  }
0xac: {  	[dreg:$0x1] =	wrdreg $0xFFFFFFFF  }
0xad: {  	[dreg:$0x0] =	wrdreg $0x60  }
0xae: {  	[dreg:$0x2] =	wrdreg s24  }
0xaf: {  	[dreg:$0x3] =	wrdreg s2  }
0xb0: {  	[dreg:$0x4] =	wrdreg $0x9  }
0xb1: {  	_ =	task.clear_ibuf [dreg:s7], $0x5FFFF;
	_ =	strace $0x90000049  }
0xb2: {  	s29 =	simm.s32 $0x9;
	_ =	strace $0x8000004B  }
0xb3: {  	_ =	swait.ge [sflag:s29], $0x1  }
0xb4: {  	[sflag:s29] =	ssyncadd.s32 $0xFFFFFFFF  }
0xb5: {  	_ =	strace $0x9000004B  }
0xb6: {  	_ =	sfence  }
0xb7: {  	s30 =	sld [smem:$0x0];
	_ =	sdelay $0x2  }
0xb8: {  	s31 =	sshll.u32 s1, $0xD;
	s1 =	sshrl.u32 s1, $0x2  }
0xb9: {  	s3 =	sand.u32 $0x4000, s31;
	s1 =	sadd.s32 s1, s30  }
0xba: {  	s0 =	sor.u32 s3, s0;
	s1 =	sshll.u32 s1, $0x11  }
0xbb: {  	s0 =	sor.u32 s1, s0  }
0xbc: {  	s0 =	sadd.s32 $0x8F2B, s0  }
0xbd: {  	[sflag:s0] =	ssyncadd.remote.s32 $0x1  }
0xbe: {  	_ =	sfence.sel $0xFFFF  }
0xbf: {  	[dreg:$0x0] =	wrdreg $0xFFFFFFFF;
	(pc) =	sbr.abs _section_cstart, $3  }
0xc0: {  	[dreg:$0x1] =	wrdreg $0xFFFFFFFF  }
0xc1: {  	_ =	task.clear_ibuf [dreg:s7], $0x2FFFF;
	_ =	strace $0x9FFFFFFF  }
0xc2: {  	(tm) =	ssettm $0x7FFFFFFF  }
0xc3: {  	_ =	shalt  }
tec
execute0_lowered:
.L_overlay_start_1:
0x0: {  	(tag) =	ssettag $0x1  }
0x1: {  	s3 =	rddreg [dreg:$0x0]  }
0x2: {  	s5 =	rddreg [dreg:$0x1]  }
0x3: {  	s0 =	rddreg [dreg:$0x2]  }
0x4: {  	s2 =	simm.s32 $0x0;
	s4 =	srdreg.scid;
	s1 =	stileid.u32  }
0x5: {  	s12 =	simm.s32 $0x1;
	s13 =	simm.s32 $0x40;
	s14 =	simm.s32 $0x80  }
0x6: {  	s15 =	simm.s32 $0x0;
	[smem:$0x7FF] =	sst s2;
	s6 =	smul.u32 $0x64000, s1  }
0x7: {  	s4 =	sand.u32 $0x1, s4;
	s8 =	smul.u32 $0x6400, s1;
	s9 =	sadd.s32 $0x188200, s3  }
0x8: {  	s3 =	sadd.s32 $0x1800, s3;
	s7 =	ssub.s32 $0x2, s4;
	s11 =	smul.u32 $0x3200, s4  }
0x9: {  	_ =	strace $0x8000004A;
	s28 =	smul.u32 $0x32000, s4;
	s10 =	sshrl.u32 s7, $0x1  }
0xa: {  	s5 =	sadd.s32 s6, s5;
	s7 =	ssub.s32 s7, s10;
	s29 =	sadd.s32 s11, s8  }
0xb: {  	s5 =	sadd.s32 s28, s5;
	s10 =	simm.s32 $0x640;
	s11 =	simm.s32 $0xCE40  }
0xc: {  	s4 =	smax.u32 s7, $0x1;
	s30 =	sshrl.u32 s29, $0x3;
	s8 =	sadd.s32 $0x64000, s29  }
0xd: {  	s5 =	sadd.s32 $0x8, s5;
	s6 =	sadd.s32 s30, s9;
	s31 =	sshrl.u32 s8, $0x3  }
0xe: {  	s8 =	simm.s32 $0x2;
	s7 =	sadd.s32 s31, s9;
	s9 =	simm.s32 $0x320  }
.LBB2_1:
0xf: {  	s16 =	sadd.s32 $0x0, s6  }
0x10: {  	[tilespmem:s2], [sflag:$0x2] =	stream.linear.gather [hbm4b:s16+s2], $0x320, $0x38;
	[tilespmem:$0x19640] =	vst v63  }
0x11: {  	_ =	swait.ge [sflag:s8], $0x320  }
0x12: {  	[sflag:s8] =	ssyncset.done $0x0  }
0x13: {  	s30 =	sadd.s32 $0x0, s7;
	[sflag:s8] =	ssyncadd.s32 $0xFFFFFCE0  }
0x14: {  	[tilespmem:s9], [sflag:$0x2] =	stream.linear.gather [hbm4b:s30+s2], $0x320, $0x38;
	[tilespmem:$0x19640] =	vst v63  }
0x15: {  	_ =	swait.ge [sflag:s8], $0x320  }
0x16: {  	[sflag:s8] =	ssyncset.done $0x0  }
0x17: {  	[sflag:s8] =	ssyncadd.s32 $0xFFFFFCE0  }
0x18: {  	[tilespmem:s10], [sflag:$0x1] =	stream.indirect.gather [hbm4b:s3+s9], $0x40, s2, s9, $0xb8;
	[tilespmem:$0x19640] =	vst v63  }
0x19: {  	_ = 	snop  }
0x1a: {  	[tilespmem:s11], [sflag:$0x1] =	stream.indirect.gather [hbm4b:s3+s9], $0x40, s9, s9, $0xb8;
	[tilespmem:$0x19640] =	vst v63  }
0x1b: {  	_ =	swait.ge [sflag:s12], $0xC800  }
0x1c: {  	[sflag:s12] =	ssyncset.done $0x0  }
0x1d: {  	[sflag:s12] =	ssyncadd.s32 $0xFFFF3800  }
0x1e: {  	_ =	swait.ge [sflag:s12], $0xC800  }
0x1f: {  	[sflag:s12] =	ssyncset.done $0x0  }
0x20: {  	s31 =	sadd.s32 $0xFFFFFFF8, s5;
	[sflag:s12] =	ssyncadd.s32 $0xFFFF3800  }
0x21: {  	[hbm4b:s31+s13] =	stream.strided.scatter [tilespmem:s10], [sflag:$0x2], $0xC800, s14, s13, $0x38;
	[tilespmem:$0x19640] =	vst v63  }
0x22: {  	_ =	swait.ge [sflag:s8], $0xC800  }
0x23: {  	[sflag:s8] =	ssyncset.done $0x0  }
0x24: {  	[sflag:s8] =	ssyncadd.s32 $0xFFFF3800  }
0x25: {  	[hbm4b:s5+s13] =	stream.strided.scatter [tilespmem:s11], [sflag:$0x2], $0xC800, s14, s13, $0x38;
	[tilespmem:$0x19640] =	vst v63  }
0x26: {  	s17 =	simm.s32 $0x64;
	_ =	swait.ge [sflag:s8], $0xC800  }
0x27: {  	s18 =	simm.s32 $0xC8;
	s16 =	sadd.s32 $0x3200, s5;
	[sflag:s8] =	ssyncset.done $0x0  }
.LBB2_2:
0x28: {  	s19 =	sadd.s32 s17, s6  }
0x29: {  	[sflag:s8] =	ssyncadd.s32 $0xFFFF3800;
	s20 =	smov.u32 s18;
	s21 =	sadd.s32 $0x64, s18  }
0x2a: {  	[tilespmem:s2], [sflag:$0x2] =	stream.linear.gather [hbm4b:s19+s2], $0x320, $0x38;
	[tilespmem:$0x19640] =	vst v63  }
0x2b: {  	p0 =	sne.s32 s18, $0x5DC;
	_ =	swait.ge [sflag:s8], $0x320  }
0x2c: {  	[sflag:s8] =	ssyncset.done $0x0  }
0x2d: {  	s18 =	sadd.s32 s17, s7;
	s17 =	smov.u32 s20;
	[sflag:s8] =	ssyncadd.s32 $0xFFFFFCE0  }
0x2e: {  	[tilespmem:s9], [sflag:$0x2] =	stream.linear.gather [hbm4b:s18+s2], $0x320, $0x38;
	[tilespmem:$0x19640] =	vst v63  }
0x2f: {  	_ =	swait.ge [sflag:s8], $0x320  }
0x30: {  	[sflag:s8] =	ssyncset.done $0x0  }
0x31: {  	[sflag:s8] =	ssyncadd.s32 $0xFFFFFCE0  }
0x32: {  	[tilespmem:s10], [sflag:$0x1] =	stream.indirect.gather [hbm4b:s3+s9], $0x40, s2, s9, $0xb8;
	[tilespmem:$0x19640] =	vst v63  }
0x33: {  	_ = 	snop  }
0x34: {  	[tilespmem:s11], [sflag:$0x1] =	stream.indirect.gather [hbm4b:s3+s9], $0x40, s9, s9, $0xb8;
	[tilespmem:$0x19640] =	vst v63  }
0x35: {  	_ =	swait.ge [sflag:s12], $0xC800  }
0x36: {  	[sflag:s12] =	ssyncset.done $0x0  }
0x37: {  	[sflag:s12] =	ssyncadd.s32 $0xFFFF3800  }
0x38: {  	_ =	swait.ge [sflag:s12], $0xC800  }
0x39: {  	[sflag:s12] =	ssyncset.done $0x0  }
0x3a: {  	s18 =	sadd.s32 $0xFFFFFFF8, s16;
	[sflag:s12] =	ssyncadd.s32 $0xFFFF3800  }
0x3b: {  	[hbm4b:s18+s13] =	stream.strided.scatter [tilespmem:s10], [sflag:$0x2], $0xC800, s14, s13, $0x38;
	[tilespmem:$0x19640] =	vst v63  }
0x3c: {  	_ =	swait.ge [sflag:s8], $0xC800  }
.Ltmp0:
0x3d: {  	[sflag:s8] =	ssyncset.done $0x0;
	(pc) =	sbr.rel @p0 .LBB2_2-.Ltmp0, $4  }
0x3e: {  	[sflag:s8] =	ssyncadd.s32 $0xFFFF3800  }
0x3f: {  	[hbm4b:s16+s13] =	stream.strided.scatter [tilespmem:s11], [sflag:$0x2], $0xC800, s14, s13, $0x38;
	[tilespmem:$0x19640] =	vst v63  }
0x40: {  	_ =	swait.ge [sflag:s8], $0xC800  }
0x41: {  	s18 =	smov.u32 s21;
	s16 =	sadd.s32 $0x3200, s16;
	[sflag:s8] =	ssyncset.done $0x0  }
0x42: {  	s18 =	sadd.s32 s17, s6;
	[sflag:s8] =	ssyncadd.s32 $0xFFFF3800  }
0x43: {  	[tilespmem:s2], [sflag:$0x2] =	stream.linear.gather [hbm4b:s18+s2], $0x320, $0x38;
	[tilespmem:$0x19640] =	vst v63  }
0x44: {  	_ =	swait.ge [sflag:s8], $0x320  }
0x45: {  	[sflag:s8] =	ssyncset.done $0x0  }
0x46: {  	s30 =	sadd.s32 s17, s7;
	[sflag:s8] =	ssyncadd.s32 $0xFFFFFCE0  }
0x47: {  	[tilespmem:s9], [sflag:$0x2] =	stream.linear.gather [hbm4b:s30+s2], $0x320, $0x38;
	[tilespmem:$0x19640] =	vst v63  }
0x48: {  	_ =	swait.ge [sflag:s8], $0x320  }
0x49: {  	[sflag:s8] =	ssyncset.done $0x0  }
0x4a: {  	[sflag:s8] =	ssyncadd.s32 $0xFFFFFCE0  }
0x4b: {  	[tilespmem:s10], [sflag:$0x1] =	stream.indirect.gather [hbm4b:s3+s9], $0x40, s2, s9, $0xb8;
	[tilespmem:$0x19640] =	vst v63  }
0x4c: {  	_ = 	snop  }
0x4d: {  	[tilespmem:s11], [sflag:$0x1] =	stream.indirect.gather [hbm4b:s3+s9], $0x40, s9, s9, $0xb8;
	[tilespmem:$0x19640] =	vst v63  }
0x4e: {  	_ =	swait.ge [sflag:s12], $0xC800  }
0x4f: {  	[sflag:s12] =	ssyncset.done $0x0  }
0x50: {  	[sflag:s12] =	ssyncadd.s32 $0xFFFF3800  }
0x51: {  	_ =	swait.ge [sflag:s12], $0xC800  }
0x52: {  	[sflag:s12] =	ssyncset.done $0x0  }
0x53: {  	s31 =	sadd.s32 $0xFFFFFFF8, s16;
	[sflag:s12] =	ssyncadd.s32 $0xFFFF3800  }
0x54: {  	[hbm4b:s31+s13] =	stream.strided.scatter [tilespmem:s10], [sflag:$0x2], $0xC800, s14, s13, $0x38;
	[tilespmem:$0x19640] =	vst v63  }
0x55: {  	s15 =	sadd.s32 $0x1, s15;
	_ =	swait.ge [sflag:s8], $0xC800  }
0x56: {  	p0 =	sne.s32 s15, s4;
	[sflag:s8] =	ssyncset.done $0x0  }
.Ltmp1:
0x57: {  	[sflag:s8] =	ssyncadd.s32 $0xFFFF3800;
	(pc) =	sbr.rel @p0 .LBB2_1-.Ltmp1, $4  }
0x58: {  	[hbm4b:s16+s13] =	stream.strided.scatter [tilespmem:s11], [sflag:$0x2], $0xC800, s14, s13, $0x38;
	[tilespmem:$0x19640] =	vst v63  }
0x59: {  	_ =	swait.ge [sflag:s8], $0xC800  }
0x5a: {  	[sflag:s8] =	ssyncset.done $0x0  }
0x5b: {  	[sflag:s8] =	ssyncadd.s32 $0xFFFF3800  }
0x5c: {  	_ =	sfence.sel $0x180000  }
0x5d: {  	[bflag:$0x0] =	sbarrier.arrive $0xFFFF  }
0x5e: {  	p0 =	sne.s32 s1, $0x0;
	_ =	strace $0x9000004A  }
0x5f: {  	s0 =	sadd.s32 @!p0 $0x100000, s0;
	[bflag:$0x2] =	sbarrier.arrive $0xFFFF  }
0x60: {  	[sflag:s0] =	ssyncadd.tile.s32 @!p0 $0x1;
	_ =	shalt  }
.Lfunc_end2:
_tile_overlayer_lowered:
.L_overlay_start_2:
0x61: {  	(tag) =	ssettag $0x2  }
0x62: {  	s0 =	rddreg [dreg:$0x0];
	s2 =	stileid.u32  }
0x63: {  	s1 =	rddreg [dreg:$0x1];
	p0 =	sne.s32 s2, $0x0  }
0x64: {  	s3 =	rddreg [dreg:$0x2];
	[bflag:$0x3] =	sbarrier.arrive $0xFFFF;
	s2 =	simm.s32 @!p0 $0x1C02  }
0x65: {  	[timem:s3], [sflag:s2] =	dma.local @!p0 [hbm:s0], s1  }
0x66: {  	s0 =	simm.s32 @!p0 $0x2  }
0x67: {  	_ =	swait.ge @!p0 [sflag:s0], s1  }
0x68: {  	s1 =	ssub.s32 @!p0 $0x0, s1;
	[sflag:s0] =	ssyncset.done @!p0 $0x0  }
0x69: {  	[sflag:s0] =	ssyncadd.s32 @!p0 s1  }
0x6a: {  	[bflag:$0x3] =	sbarrier.arrive $0xFFFF  }
0x6b: {  	_ =	shalt  }

// kernel: sparse-core-data-format-call.1.cloned.1.call-start
scs
called_computation.1_lowered:
.L_overlay_start_0:
0x0: {  	s2 =	sld [smem:$0x3FD9]  }
0x1: {  	s3 =	sld [smem:$0x3FFE];
	_ =	sdelay $0x1  }
0x2: {  	s1 =	srdreg.scid  }
0x3: {  	s0 =	sand.u32 $0x1, s1  }
0x4: {  	s18 =	sshll.u32 s0, $0xA;
	s2 =	sadd.s32 s3, s2  }
0x5: {  	s2 =	sadd.s32 s2, s18  }
0x6: {  	[smem:$0x3FC1] =	sst s2  }
0x7: {  	_ = 	snop  }
0x8: {  	s2 =	sld [smem:$0x3FD0];
	(tm) =	ssettm $0x1  }
0x9: {  	s19 =	sld [smem:$0x3FFB];
	_ =	sdelay $0x3  }
0xa: {  	_ =	strace s19  }
0xb: {  	s3 =	sld [smem:$0x3FFC];
	_ =	sdelay $0x3  }
0xc: {  	_ =	strace s3  }
0xd: {  	s3 =	sld [smem:$0x3FFD];
	_ =	sdelay $0x3  }
0xe: {  	_ =	strace s3  }
0xf: {  	_ =	strace $0x8FFFFFFF  }
0x10: {  	s20 =	sld [smem:$0x3FDB];
	_ =	sdelay $0x1  }
0x11: {  	s4 =	simm.s32 $_scs_section_size  }
0x12: {  	s5 =	simm.s32 $_size__tile_overlayer_lowered;
	s6 =	simm.s32 $_tile_overlayer_lowered  }
0x13: {  	s23 =	simm.s32 $0x1BFF;
	s22 =	sshll.u32 s6, $0x1;
	s3 =	sadd.s32 s4, s20  }
0x14: {  	s7 =	simm.s32 $0x0;
	s21 =	sshll.u32 s5, $0x1;
	s5 =	sadd.s32 s22, s3  }
0x15: {  	[timem:s7], [sflag:s23] =	dma.local [hbm:s5], s21  }
0x16: {  	_ =	swait.ge [sflag:s23], s21  }
0x17: {  	s4 =	ssub.s32 $0x0, s21;
	[sflag:s23] =	ssyncset.done $0x0  }
0x18: {  	[sflag:s23] =	ssyncadd.s32 s4;
	_ =	sdelay $0x1  }
0x19: {  	s24 =	simm.s32 $0x1B8B  }
0x1a: {  	_ =	swait.ge [sflag:s24], $0x1  }
0x1b: {  	[sflag:s24] =	ssyncset.done $0x0  }
0x1c: {  	s26 =	simm.s32 $0x1B8E;
	s25 =	sld [smem:$0x3FFE];
	[sflag:s24] =	ssyncadd.s32 $0xFFFFFFFF  }
0x1d: {  	s27 =	simm.s32 $execute0_lowered;
	[smem:$0x3FD2] =	sst s26  }
0x1e: {  	s5 =	sshll.u32 s27, $0x1;
	_ =	strace $0x80000046;
	[dreg:$0x1] =	wrdreg $0xFFFFFFFF  }
0x1f: {  	s28 =	simm.s32 $_size_execute0_lowered;
	s3 =	sadd.s32 s3, s5;
	[dreg:$0x0] =	wrdreg $0x0  }
0x20: {  	s5 =	sshll.u32 s28, $0x1;
	[dreg:$0x2] =	wrdreg s3  }
0x21: {  	[dreg:$0x3] =	wrdreg s5  }
0x22: {  	[dreg:$0x4] =	wrdreg $0xC0  }
0x23: {  	_ =	task [dreg:s7], $0x5FFFF  }
0x24: {  	[dreg:$0x1] =	wrdreg $0xFFFFFFFF  }
0x25: {  	[dreg:$0x0] =	wrdreg $0x60  }
0x26: {  	[dreg:$0x2] =	wrdreg s2  }
0x27: {  	[dreg:$0x3] =	wrdreg s25  }
0x28: {  	[dreg:$0x4] =	wrdreg $0x9  }
0x29: {  	_ =	task.clear_ibuf [dreg:s7], $0x5FFFF;
	_ =	strace $0x90000046  }
0x2a: {  	s29 =	simm.s32 $0x9;
	_ =	strace $0x80000048  }
0x2b: {  	_ =	swait.ge [sflag:s29], $0x1  }
0x2c: {  	[sflag:s29] =	ssyncadd.s32 $0xFFFFFFFF  }
0x2d: {  	_ =	strace $0x90000048  }
0x2e: {  	_ =	sfence  }
0x2f: {  	s30 =	sld [smem:$0x0];
	_ =	sdelay $0x2  }
0x30: {  	s31 =	sshll.u32 s1, $0xD;
	s1 =	sshrl.u32 s1, $0x2  }
0x31: {  	s3 =	sand.u32 $0x4000, s31;
	s1 =	sadd.s32 s1, s30  }
0x32: {  	s0 =	sor.u32 s3, s0;
	s1 =	sshll.u32 s1, $0x11  }
0x33: {  	s0 =	sor.u32 s1, s0  }
0x34: {  	s0 =	sadd.s32 $0x8F2B, s0  }
0x35: {  	[sflag:s0] =	ssyncadd.remote.s32 $0x1  }
0x36: {  	_ =	sfence.sel $0xFFFF  }
0x37: {  	[dreg:$0x0] =	wrdreg $0xFFFFFFFF;
	(pc) =	sbr.abs _section_cstart, $3  }
0x38: {  	[dreg:$0x1] =	wrdreg $0xFFFFFFFF  }
0x39: {  	_ =	task.clear_ibuf [dreg:s7], $0x2FFFF;
	_ =	strace $0x9FFFFFFF  }
0x3a: {  	(tm) =	ssettm $0x7FFFFFFF  }
0x3b: {  	_ =	shalt  }
tec
execute0_lowered:
.L_overlay_start_1:
0x0: {  	(tag) =	ssettag $0x1  }
0x1: {  	s2 =	rddreg [dreg:$0x0]  }
0x2: {  	s0 =	srdreg.scid;
	s4 =	rddreg [dreg:$0x1]  }
0x3: {  	s1 =	stileid.u32;
	s5 =	simm.s32 $0x1;
	s7 =	simm.s32 $0x2  }
0x4: {  	s14 =	simm.s32 $0x0;
	p0 =	por $0x0, $0x0;
	s0 =	sshll.u32 s0, $0x4  }
0x5: {  	s13 =	simm.s32 $0x0;
	s8 =	simm.s32 $0x0;
	s3 =	sand.u32 $0x10, s0  }
.Ltmp0:
0x6: {  	s9 =	simm.s32 $0x0;
	s3 =	sor.u32 s1, s3;
	(pc) =	sbr.rel .LBB1_1-.Ltmp0, $4  }
0x7: {  	s11 =	simm.s32 $0x0;
	s12 =	simm.s32 $0x0;
	s3 =	sshll.u32 s3, $0x7  }
0x8: {  	s0 =	rddreg [dreg:$0x2];
	_ =	strace $0x80000047;
	s6 =	ssub.s32 $0x18680, s3  }
0x9: {  	s4 =	sadd.s32 $0x1800, s4;
	[sflag:s5] =	ssyncpa.u1 $0x0;
	s6 =	sshrl.u32 s6, $0xC  }
0xa: {  	[sflag:s7] =	ssyncpa.u1 $0x0;
	s10 =	smov.u32 s3;
	s7 =	sadd.s32 $0x2, s6  }
.LBB1_5:
0xb: {  	p1 =	slt.u32 s12, $0x2  }
0xc: {  	p2 =	sgt.s32 @!p1 s14, $0x18620  }
0xd: {  	s15 =	smov.u32 s14;
	s16 =	sshra.s32 @!p1 s14, $0x1F;
	p2 =	por !p2, p1  }
0xe: {  	s14 =	sand.u32 @!p1 s16, s14;
	s15 =	simm.s32 @p2 $0x18620  }
0xf: {  	s14 =	ssub.s32 @!p1 s15, s14;
	s15 =	ssub.s32 @!p1 $0x0, s13  }
0x10: {  	s17 =	smov.u32 s11;
	s16 =	sadd.s32 @!p1 $0xFFFE79E0, s14;
	s13 =	smin.u32 @!p1 s13, s15  }
0x11: {  	s14 =	ssub.s32 @!p1 $0x186A0, s14;
	p2 =	sgt.s32 @!p1 s16, $0x7F;
	p3 =	sgt.s32 @!p1 s13, $0x7F  }
0x12: {  	s13 =	ssub.s32 @!p1 $0x80, s13;
	p2 =	por !p2, p1;
	p3 =	por !p3, p1  }
0x13: {  	s15 =	sadd.s32 $0x1000, s10;
	s14 =	simm.s32 @!p2 $0x0;
	s13 =	simm.s32 @!p3 $0x0  }
0x14: {  	p2 =	sgt.s32 s15, $0x1869F;
	s13 =	smul.u32 @!p1 s13, s14;
	s14 =	sadd.s32 $0x80, s11  }
0x15: {  	s17 =	smov.u32 @p2 s14  }
0x16: {  	s15 =	smov.u32 @p2 s3;
	p2 =	sgt.s32 s17, $0x7F  }
0x17: {  	s17 =	simm.s32 @p2 $0x0;
	p2 =	sne.s32 s12, s7  }
.Ltmp1:
0x18: {  	p0 =	por !p0, !p0;
	s16 =	simm.s32 @!p1 $0x2;
	(pc) =	sbr.rel @!p2 .LBB1_6-.Ltmp1, $4  }
0x19: {  	s14 =	smov.u32 s8;
	s8 =	smov.u32 s10;
	s13 =	sand.u32 @!p1 $0x3FFFFFFF, s13  }
0x1a: {  	s10 =	smov.u32 s15;
	_ =	swait.ge @!p1 [sflag:s16], s13;
	s18 =	ssub.s32 @!p1 $0x0, s13  }
0x1b: {  	s13 =	smov.u32 s9;
	s12 =	sadd.s32 $0x1, s12;
	[sflag:s16] =	ssyncset.done @!p1 $0x0  }
0x1c: {  	s9 =	smov.u32 s11;
	s11 =	smov.u32 s17;
	[sflag:s16] =	ssyncadd.s32 @!p1 s18  }
.LBB1_1:
0x1d: {  	p1 =	sgt.u32 s12, s6  }
0x1e: {  	s15 =	sshrl.u32 @!p1 s11, $0x3  }
0x1f: {  	s16 =	sshll.u32 @!p1 s10, $0x3;
	s15 =	smul.u32 @!p1 $0xC3800, s15  }
0x20: {  	s17 =	sshll.u32 @!p1 s11, $0x7;
	s16 =	sand.u32 @!p1 $0xFFFFFC00, s16  }
0x21: {  	s15 =	sadd.s32 @!p1 s15, s16;
	s16 =	sand.u32 @!p1 $0x380, s17  }
0x22: {  	s17 =	sand.u32 @!p1 $0x7F, s10;
	s15 =	sor.u32 @!p1 s16, s15  }
0x23: {  	s16 =	sor.u32 @!p1 s17, s15  }
0x24: {  	s17 =	smulhi.u32 @!p1 $0xA79C7B17, s16;
	_ =	sdelay $0x1  }
0x25: {  	s15 =	smulhi.u32 @!p1 $0xA79C7B17, s15;
	s17 =	sshrl.u32 @!p1 s17, $0x10  }
0x26: {  	s17 =	smul.u32 @!p1 $0x18700, s17  }
0x27: {  	s18 =	sxor.u32 @!p1 $0xFFFFFFFF, s12;
	s15 =	sshrl.u32 @!p1 s15, $0x10  }
0x28: {  	s18 =	sshll.u32 @!p1 s18, $0xE;
	s15 =	sand.u32 @!p1 $0x7F, s15;
	s16 =	ssub.s32 @!p1 s16, s17  }
0x29: {  	s15 =	smul.u32 @!p1 $0x30E0, s15;
	s17 =	sshrl.u32 @!p1 s16, $0x3;
	s16 =	sand.u32 @!p1 $0x7, s16  }
0x2a: {  	s18 =	sand.u32 @!p1 $0x4000, s18;
	s17 =	sadd.s32 @!p1 s2, s17;
	s16 =	sshll.u32 @!p1 s16, $0x12  }
0x2b: {  	s15 =	sadd.s32 @!p1 s15, s17;
	s16 =	sor.u32 @!p1 $0x400, s16;
	s17 =	simm.s32 @!p1 $0xC3800  }
0x2c: {  	[tilespmem:s18], [sflag:$0x1] =	stream.strided.gather @!p1 [hbm4b:s15+s16], $0x4000, s17, s16, $0x38;
	[tilespmem:$0x10100] =	vst v63  }
0x2d: {  	p1 =	seq.s32 s12, $0x0  }
0x2e: {  	p2 =	sge.u32 @!p1 s12, s7  }
0x2f: {  	p1 =	por p1, p2  }
.Ltmp2:
0x30: {  	_ = 	snop;
	(pc) =	sbr.rel @p1 .LBB1_5-.Ltmp2, $1  }
0x31: {  	_ =	sdelay $0x3  }
0x32: {  	s15 =	simm.s32 $0x1  }
0x33: {  	_ =	swait.ge [sflag:s5], $0x4000;
	s15 =	simm.s32 @!p0 $0x0  }
0x34: {  	[sflag:s5] =	ssyncset.done $0x0;
	s16 =	sshll.u32 s15, $0xE  }
0x35: {  	[sflag:s5] =	ssyncadd.s32 $0xFFFFC000;
	s16 =	sor.u32 $0x40, s16  }
0x36: {  	s15 =	smul.u32 $0x10200, s15;
	v0 =	vld [tilespmem:s16+$0x30]  }
0x37: {  	v1 =	vld [tilespmem:s16+$0xFFFFFFD0]  }
0x38: {  	s15 =	sshrl.u32 s15, $0x2;
	v5 =	vld [tilespmem:s16+$0xFFFFFFE0]  }
0x39: {  	v6 =	vld [tilespmem:s16+$0xFFFFFFF0];
	s18 =	sor.u32 $0x8000, s15  }
0x3a: {  	s31 =	sand.u32 $0x1, s12;
	v4 =	vld [tilespmem:s16+$0x0];
	s17 =	sadd.s32 $0x0, s18  }
0x3b: {  	v3 =	vld [tilespmem:s16+$0x10];
	s15 =	smul.u32 $0x10200, s31;
	[tilespmem:s17+$0x3870 ss:$0x81] =	vst.msk $0xffff, v0  }
0x3c: {  	v2 =	vld [tilespmem:s16+$0x20];
	[tilespmem:s17+$0x810 ss:$0x81] =	vst.msk $0xffff, v1  }
0x3d: {  	s15 =	sshrl.u32 s15, $0x2;
	v0 =	vld [tilespmem:s16+$0xFFFFFFC0];
	[tilespmem:s17+$0x1020 ss:$0x81] =	vst.msk $0xffff, v5;
	s16 =	sadd.s32 $0x80, s16  }
0x3e: {  	s19 =	simm.s32 $0x4;
	s20 =	simm.s32 $0x8;
	s15 =	sor.u32 $0x8000, s15;
	[tilespmem:s17+$0x1830 ss:$0x81] =	vst.msk $0xffff, v6;
	v1 =	vld [tilespmem:s16+$0x30]  }
.LBB1_3:
0x3f: {  	p1 =	sne.s32 s20, $0x1FC;
	v5 =	vld [tilespmem:s16+$0xFFFFFFD0];
	[tilespmem:s17+$0x2040 ss:$0x81] =	vst.msk $0xffff, v4  }
0x40: {  	v6 =	vld [tilespmem:s16+$0xFFFFFFE0];
	[tilespmem:s17+$0x2850 ss:$0x81] =	vst.msk $0xffff, v3  }
0x41: {  	s21 =	sshra.s32 s19, $0x2;
	s19 =	smov.u32 s20;
	v7 =	vld [tilespmem:s16+$0xFFFFFFF0];
	[tilespmem:s17+$0x3060 ss:$0x81] =	vst.msk $0xffff, v2  }
.Ltmp3:
0x42: {  	v4 =	vld [tilespmem:s16+$0x0];
	[tilespmem:s17+$0x0 ss:$0x81] =	vst.msk $0xffff, v0;
	s17 =	sadd.s32 s21, s18;
	(pc) =	sbr.rel @p1 .LBB1_3-.Ltmp3, $4  }
0x43: {  	v3 =	vld [tilespmem:s16+$0x10];
	[tilespmem:s17+$0x3870 ss:$0x81] =	vst.msk $0xffff, v1  }
0x44: {  	[tilespmem:s17+$0x810 ss:$0x81] =	vst.msk $0xffff, v5;
	v2 =	vld [tilespmem:s16+$0x20]  }
0x45: {  	v0 =	vld [tilespmem:s16+$0xFFFFFFC0];
	[tilespmem:s17+$0x1020 ss:$0x81] =	vst.msk $0xffff, v6;
	s16 =	sadd.s32 $0x80, s16  }
0x46: {  	s20 =	sadd.s32 $0x4, s20;
	v1 =	vld [tilespmem:s16+$0x30];
	[tilespmem:s17+$0x1830 ss:$0x81] =	vst.msk $0xffff, v7  }
0x47: {  	s20 =	sshll.u32 s8, $0x7;
	s21 =	sshll.u32 s9, $0x3;
	s19 =	sshra.s32 s19, $0x2  }
0x48: {  	v5 =	vld [tilespmem:s16+$0xFFFFFFD0];
	[tilespmem:s17+$0x2040 ss:$0x81] =	vst.msk $0xffff, v4;
	p1 =	sgt.s32 s8, $0x18620;
	s22 =	sand.u32 $0xFFFFFC00, s20;
	s21 =	sand.u32 $0xFFFFFC00, s21  }
0x49: {  	v58 =	vld [tilespmem:s16+$0xFFFFFFE0];
	s24 =	sshra.s32 s8, $0x1F;
	s20 =	sand.u32 $0x380, s20;
	[tilespmem:s17+$0x2850 ss:$0x81] =	vst.msk $0xffff, v3;
	s21 =	sadd.s32 s21, s22  }
0x4a: {  	v59 =	vld [tilespmem:s16+$0xFFFFFFF0];
	s26 =	ssub.s32 $0x0, s9;
	s18 =	sadd.s32 s19, s18;
	[tilespmem:s17+$0x3060 ss:$0x81] =	vst.msk $0xffff, v2;
	s23 =	sor.u32 s20, s21  }
0x4b: {  	v60 =	vld [tilespmem:s16+$0x0];
	s28 =	smin.u32 s9, s26;
	s20 =	smov.u32 s8;
	[tilespmem:s17+$0x0 ss:$0x81] =	vst.msk $0xffff, v0;
	s19 =	sshrl.u32 s23, $0x7  }
0x4c: {  	v61 =	vld [tilespmem:s16+$0x10];
	s21 =	sand.u32 s24, s8;
	s20 =	simm.s32 @!p1 $0x18620;
	[tilespmem:s18+$0x3870 ss:$0x81] =	vst.msk $0xffff, v1;
	s25 =	smulhi.u32 $0x14F8B59, s19  }
0x4d: {  	v62 =	vld [tilespmem:s16+$0x20];
	s29 =	sshrl.u32 s9, $0x3;
	p2 =	sgt.s32 s28, $0x7F;
	s20 =	ssub.s32 s20, s21;
	[tilespmem:s18+$0x810 ss:$0x81] =	vst.msk $0xffff, v5  }
0x4e: {  	v63 =	vld [tilespmem:s16+$0xFFFFFFC0];
	[tilespmem:s18+$0x1020 ss:$0x81] =	vst.msk $0xffff, v58;
	s21 =	sadd.s32 $0xFFFE79E0, s20;
	s20 =	ssub.s32 $0x186A0, s20;
	s17 =	sshrl.u32 s25, $0x9  }
0x4f: {  	[tilespmem:s18+$0x1830 ss:$0x81] =	vst.msk $0xffff, v59;
	p1 =	sgt.s32 s21, $0x7F;
	s27 =	smul.u32 $0x186A0, s17;
	s17 =	ssub.s32 $0x80, s28  }
.Ltmp4:
0x50: {  	[tilespmem:s18+$0x2040 ss:$0x81] =	vst.msk $0xffff, v60;
	s20 =	simm.s32 @p1 $0x0;
	s17 =	simm.s32 @p2 $0x0;
	(pc) =	sbr.rel .LBB1_5-.Ltmp4, $4  }
0x51: {  	s30 =	sand.u32 $0xF, s29;
	[tilespmem:s18+$0x2850 ss:$0x81] =	vst.msk $0xffff, v61;
	s16 =	ssub.s32 s19, s27;
	s17 =	smul.u32 s17, s20  }
0x52: {  	[tilespmem:s18+$0x3060 ss:$0x81] =	vst.msk $0xffff, v62;
	s19 =	sadd.s32 s4, s30;
	s16 =	sshll.u32 s16, $0x4  }
0x53: {  	s31 =	sand.u32 $0x7, s9;
	[tilespmem:s18+$0x0 ss:$0x81] =	vst.msk $0xffff, v63;
	s17 =	sand.u32 $0x3FFFFFFF, s17;
	s16 =	sadd.s32 s16, s19  }
0x54: {  	[hbm4b:s16+s31] =	stream.linear.scatter [tilespmem:s15], [sflag:$0x2], s17, $0x20;
	[tilespmem:$0x10100] =	vst v63  }
.LBB1_6:
0x55: {  	_ =	sfence.sel $0x180000  }
0x56: {  	s2 =	simm.s32 $0x1;
	[bflag:$0x0] =	sbarrier.arrive $0xFFFF  }
0x57: {  	s31 =	simm.s32 $0x2;
	[sflag:s2] =	ssyncpa.u1 $0x1  }
0x58: {  	[sflag:s31] =	ssyncpa.u1 $0x1  }
0x59: {  	p0 =	sne.s32 s1, $0x0;
	_ =	strace $0x90000047  }
0x5a: {  	s0 =	sadd.s32 @!p0 $0x100000, s0;
	[bflag:$0x2] =	sbarrier.arrive $0xFFFF  }
0x5b: {  	[sflag:s0] =	ssyncadd.tile.s32 @!p0 $0x1;
	_ =	shalt  }
.Lfunc_end1:
_tile_overlayer_lowered:
.L_overlay_start_2:
0x5c: {  	(tag) =	ssettag $0x2  }
0x5d: {  	s0 =	rddreg [dreg:$0x0];
	s2 =	stileid.u32  }
0x5e: {  	s1 =	rddreg [dreg:$0x1];
	p0 =	sne.s32 s2, $0x0  }
0x5f: {  	s3 =	rddreg [dreg:$0x2];
	[bflag:$0x3] =	sbarrier.arrive $0xFFFF;
	s2 =	simm.s32 @!p0 $0x1C01  }
0x60: {  	[timem:s3], [sflag:s2] =	dma.local @!p0 [hbm:s0], s1  }
0x61: {  	s0 =	simm.s32 @!p0 $0x1  }
0x62: {  	_ =	swait.ge @!p0 [sflag:s0], s1  }
0x63: {  	s1 =	ssub.s32 @!p0 $0x0, s1;
	[sflag:s0] =	ssyncset.done @!p0 $0x0  }
0x64: {  	[sflag:s0] =	ssyncadd.s32 @!p0 s1  }
0x65: {  	[bflag:$0x3] =	sbarrier.arrive $0xFFFF  }
0x66: {  	_ =	shalt  }

// kernel: sparse-core-data-format-call.cloned.1.call-start
scs
called_computation_lowered:
.L_overlay_start_0:
0x0: {  	s2 =	sld [smem:$0x3FD9]  }
0x1: {  	s3 =	sld [smem:$0x3FFE];
	_ =	sdelay $0x1  }
0x2: {  	s1 =	srdreg.scid  }
0x3: {  	s0 =	sand.u32 $0x1, s1  }
0x4: {  	s18 =	sshll.u32 s0, $0xA;
	s2 =	sadd.s32 s3, s2  }
0x5: {  	s2 =	sadd.s32 s2, s18  }
0x6: {  	[smem:$0x3FC1] =	sst s2  }
0x7: {  	_ = 	snop  }
0x8: {  	s2 =	sld [smem:$0x3FD0];
	(tm) =	ssettm $0x1  }
0x9: {  	s19 =	sld [smem:$0x3FFB];
	_ =	sdelay $0x3  }
0xa: {  	_ =	strace s19  }
0xb: {  	s3 =	sld [smem:$0x3FFC];
	_ =	sdelay $0x3  }
0xc: {  	_ =	strace s3  }
0xd: {  	s3 =	sld [smem:$0x3FFD];
	_ =	sdelay $0x3  }
0xe: {  	_ =	strace s3  }
0xf: {  	_ =	strace $0x8FFFFFFF  }
0x10: {  	s20 =	sld [smem:$0x3FDB];
	_ =	sdelay $0x1  }
0x11: {  	s4 =	simm.s32 $_scs_section_size  }
0x12: {  	s5 =	simm.s32 $_size__tile_overlayer_lowered;
	s6 =	simm.s32 $_tile_overlayer_lowered  }
0x13: {  	s23 =	simm.s32 $0x1BFF;
	s22 =	sshll.u32 s6, $0x1;
	s3 =	sadd.s32 s4, s20  }
0x14: {  	s7 =	simm.s32 $0x0;
	s21 =	sshll.u32 s5, $0x1;
	s5 =	sadd.s32 s22, s3  }
0x15: {  	[timem:s7], [sflag:s23] =	dma.local [hbm:s5], s21  }
0x16: {  	_ =	swait.ge [sflag:s23], s21  }
0x17: {  	s4 =	ssub.s32 $0x0, s21;
	[sflag:s23] =	ssyncset.done $0x0  }
0x18: {  	[sflag:s23] =	ssyncadd.s32 s4;
	_ =	sdelay $0x1  }
0x19: {  	s24 =	simm.s32 $0x1B8B  }
0x1a: {  	_ =	swait.ge [sflag:s24], $0x1  }
0x1b: {  	[sflag:s24] =	ssyncset.done $0x0  }
0x1c: {  	s26 =	simm.s32 $0x1B8E;
	s25 =	sld [smem:$0x3FFE];
	[sflag:s24] =	ssyncadd.s32 $0xFFFFFFFF  }
0x1d: {  	s27 =	simm.s32 $execute0_lowered;
	[smem:$0x3FD2] =	sst s26  }
0x1e: {  	s5 =	sshll.u32 s27, $0x1;
	_ =	strace $0x8000004C;
	[dreg:$0x1] =	wrdreg $0xFFFFFFFF  }
0x1f: {  	s28 =	simm.s32 $_size_execute0_lowered;
	s3 =	sadd.s32 s3, s5;
	[dreg:$0x0] =	wrdreg $0x0  }
0x20: {  	s5 =	sshll.u32 s28, $0x1;
	[dreg:$0x2] =	wrdreg s3  }
0x21: {  	[dreg:$0x3] =	wrdreg s5  }
0x22: {  	[dreg:$0x4] =	wrdreg $0xC0  }
0x23: {  	_ =	task [dreg:s7], $0x5FFFF  }
0x24: {  	[dreg:$0x1] =	wrdreg $0xFFFFFFFF  }
0x25: {  	[dreg:$0x0] =	wrdreg $0x60  }
0x26: {  	[dreg:$0x2] =	wrdreg s25  }
0x27: {  	[dreg:$0x3] =	wrdreg s2  }
0x28: {  	[dreg:$0x4] =	wrdreg $0x9  }
0x29: {  	_ =	task.clear_ibuf [dreg:s7], $0x5FFFF;
	_ =	strace $0x9000004C  }
0x2a: {  	s29 =	simm.s32 $0x9;
	_ =	strace $0x8000004E  }
0x2b: {  	_ =	swait.ge [sflag:s29], $0x1  }
0x2c: {  	[sflag:s29] =	ssyncadd.s32 $0xFFFFFFFF  }
0x2d: {  	_ =	strace $0x9000004E  }
0x2e: {  	_ =	sfence  }
0x2f: {  	s30 =	sld [smem:$0x0];
	_ =	sdelay $0x2  }
0x30: {  	s31 =	sshll.u32 s1, $0xD;
	s1 =	sshrl.u32 s1, $0x2  }
0x31: {  	s3 =	sand.u32 $0x4000, s31;
	s1 =	sadd.s32 s1, s30  }
0x32: {  	s0 =	sor.u32 s3, s0;
	s1 =	sshll.u32 s1, $0x11  }
0x33: {  	s0 =	sor.u32 s1, s0  }
0x34: {  	s0 =	sadd.s32 $0x8F2B, s0  }
0x35: {  	[sflag:s0] =	ssyncadd.remote.s32 $0x1  }
0x36: {  	_ =	sfence.sel $0xFFFF  }
0x37: {  	[dreg:$0x0] =	wrdreg $0xFFFFFFFF;
	(pc) =	sbr.abs _section_cstart, $3  }
0x38: {  	[dreg:$0x1] =	wrdreg $0xFFFFFFFF  }
0x39: {  	_ =	task.clear_ibuf [dreg:s7], $0x2FFFF;
	_ =	strace $0x9FFFFFFF  }
0x3a: {  	(tm) =	ssettm $0x7FFFFFFF  }
0x3b: {  	_ =	shalt  }
tec
execute0_lowered:
.L_overlay_start_1:
0x0: {  	(tag) =	ssettag $0x1  }
0x1: {  	s0 =	srdreg.scid  }
0x2: {  	s1 =	sshll.u32 s0, $0x4  }
0x3: {  	s0 =	stileid.u32;
	s1 =	sand.u32 $0x10, s1  }
0x4: {  	s1 =	sor.u32 s0, s1  }
0x5: {  	s6 =	rddreg [dreg:$0x0];
	s4 =	simm.s32 $0x1;
	s2 =	sshll.u32 s1, $0x7  }
0x6: {  	s7 =	simm.s32 $0x2;
	s12 =	simm.s32 $0x0;
	s1 =	ssub.s32 $0x1000, s2  }
0x7: {  	s8 =	simm.s32 $0x8000;
	s13 =	simm.s32 $0x0;
	s3 =	sand.u32 $0xF80, s1  }
0x8: {  	s9 =	simm.s32 $0x0;
	s5 =	sshrl.u32 s1, $0xC;
	p0 =	sne.s32 s3, $0x0  }
.Ltmp0:
0x9: {  	s1 =	rddreg [dreg:$0x2];
	s4 =	simm.s32 @!p0 $0x0;
	(pc) =	sbr.rel .LBB1_1-.Ltmp0, $4  }
0xa: {  	s11 =	simm.s32 $0x0;
	s3 =	rddreg [dreg:$0x1];
	s5 =	sadd.s32 s4, s5  }
0xb: {  	_ =	strace $0x8000004D;
	s4 =	simm.s32 $0x1;
	s5 =	smul.u32 $0xC8, s5  }
0xc: {  	s6 =	sadd.s32 $0x1BA200, s6;
	s10 =	smov.u32 s2;
	[sflag:s4] =	ssyncpa.u1 $0x0  }
0xd: {  	p0 =	por $0x0, $0x0;
	[sflag:s7] =	ssyncpa.u1 $0x0;
	s7 =	sor.u32 $0x1, s5  }
.LBB1_4:
0xe: {  	s16 =	sshll.u32 s13, $0x3;
	s17 =	sand.u32 $0x78, s13  }
0xf: {  	s30 =	sand.u32 $0x7E00, s13;
	s12 =	sshll.u32 s12, $0xF;
	s16 =	sand.u32 $0xC00, s16  }
0x10: {  	[tilespmem:s15+$0x810 ss:$0x81] =	vst.msk $0xffff, v2;
	s31 =	sand.u32 $0x7, s13;
	s16 =	sor.u32 s17, s16;
	s17 =	sadd.s32 s3, s30  }
0x11: {  	[tilespmem:s15+$0x1020 ss:$0x81] =	vst.msk $0xffff, v0;
	s13 =	sshll.u32 s31, $0x12;
	s12 =	sadd.s32 s12, s17;
	s16 =	sshrl.u32 s16, $0x3  }
0x12: {  	[tilespmem:s15+$0x0 ss:$0x81] =	vst.msk $0xffff, v1;
	s13 =	sor.u32 $0x400, s13;
	s12 =	sadd.s32 s16, s12  }
0x13: {  	[hbm4b:s12+s13] =	stream.strided.scatter [tilespmem:s14], [sflag:$0x2], $0x2000, s8, s13, $0x20;
	[tilespmem:$0x8080] =	vst v63  }
.LBB1_5:
0x14: {  	s14 =	sadd.s32 $0x1, s9  }
0x15: {  	s12 =	sadd.s32 $0x1000, s10;
	s16 =	smov.u32 s10;
	p2 =	sgt.s32 s14, $0xC7  }
0x16: {  	s16 =	smov.u32 @p2 s12  }
0x17: {  	s14 =	simm.s32 @p2 $0x0;
	p2 =	sgt.s32 s16, $0xFFF  }
0x18: {  	s16 =	smov.u32 @p2 s2;
	p2 =	sne.s32 s11, s7  }
.Ltmp1:
0x19: {  	p1 =	slt.u32 s11, $0x2;
	(pc) =	sbr.rel @!p2 .LBB1_6-.Ltmp1, $4  }
0x1a: {  	s15 =	simm.s32 @!p1 $0x2  }
0x1b: {  	s13 =	smov.u32 s10;
	p0 =	por !p0, !p0;
	_ =	swait.ge @!p1 [sflag:s15], $0x2000  }
0x1c: {  	s12 =	smov.u32 s9;
	[sflag:s15] =	ssyncset.done @!p1 $0x0;
	s9 =	smov.u32 s14  }
0x1d: {  	s11 =	sadd.s32 $0x1, s11;
	[sflag:s15] =	ssyncadd.s32 @!p1 $0xFFFFE000;
	s10 =	smov.u32 s16  }
.LBB1_1:
0x1e: {  	p1 =	sge.u32 s11, s5  }
0x1f: {  	s14 =	sand.u32 @!p1 $0x1FFFFFF, s9  }
0x20: {  	s15 =	smulhi.u32 @!p1 $0x147AE15, s14;
	_ =	sdelay $0x1  }
0x21: {  	s15 =	smul.u32 @!p1 $0xC8, s15  }
0x22: {  	s16 =	sxor.u32 @!p1 $0xFFFFFFFF, s11;
	s17 =	smul.u32 @!p1 $0xC80, s10  }
0x23: {  	s31 =	sadd.s32 $0xFFFFFFFF, s11;
	s16 =	sshll.u32 @!p1 s16, $0xD;
	s14 =	ssub.s32 @!p1 s14, s15  }
0x24: {  	s15 =	sand.u32 @!p1 $0x2000, s16;
	s16 =	sadd.s32 @!p1 s6, s17;
	s14 =	sshll.u32 @!p1 s14, $0x4  }
0x25: {  	s17 =	simm.s32 @!p1 $0x6400;
	s14 =	sadd.s32 @!p1 s14, s16;
	s16 =	simm.s32 @!p1 $0x40  }
0x26: {  	[tilespmem:s15], [sflag:$0x1] =	stream.strided.gather @!p1 [hbm4b:s14+s16], $0x2000, s17, s16, $0x38;
	[tilespmem:$0x8080] =	vst v63  }
0x27: {  	p1 =	sge.u32 s31, s5  }
.Ltmp2:
0x28: {  	_ = 	snop;
	(pc) =	sbr.rel @p1 .LBB1_5-.Ltmp2, $1  }
0x29: {  	_ =	sdelay $0x3  }
0x2a: {  	s14 =	simm.s32 $0x1  }
0x2b: {  	_ =	swait.ge [sflag:s4], $0x2000;
	s14 =	simm.s32 @!p0 $0x0  }
0x2c: {  	[sflag:s4] =	ssyncset.done $0x0;
	s15 =	sshll.u32 s14, $0xD  }
0x2d: {  	[sflag:s4] =	ssyncadd.s32 $0xFFFFE000;
	s18 =	sor.u32 $0x20, s15  }
0x2e: {  	s14 =	smul.u32 $0x8100, s14;
	v3 =	vld [tilespmem:s18+$0x10]  }
0x2f: {  	s30 =	sand.u32 $0x1, s11;
	v2 =	vld [tilespmem:s18+$0xFFFFFFF0]  }
0x30: {  	s15 =	smul.u32 $0x8100, s30;
	s14 =	sshrl.u32 s14, $0x2;
	v0 =	vld [tilespmem:s18+$0x0]  }
0x31: {  	v1 =	vld [tilespmem:s18+$0xFFFFFFE0];
	s16 =	sor.u32 $0x4000, s14  }
0x32: {  	s31 =	sshrl.u32 s15, $0x2;
	s15 =	sadd.s32 $0x0, s16  }
0x33: {  	s17 =	simm.s32 $0x4;
	s18 =	sadd.s32 $0x40, s18;
	s14 =	sor.u32 $0x4000, s31;
	[tilespmem:s15+$0x1830 ss:$0x81] =	vst.msk $0xffff, v3  }
.LBB1_3:
0x34: {  	v3 =	vld [tilespmem:s18+$0x10];
	p1 =	sne.s32 s17, $0x1FC;
	[tilespmem:s15+$0x810 ss:$0x81] =	vst.msk $0xffff, v2;
	s19 =	smov.u32 s17;
	s17 =	sadd.s32 $0x4, s17  }
.Ltmp3:
0x35: {  	v2 =	vld [tilespmem:s18+$0xFFFFFFF0];
	[tilespmem:s15+$0x1020 ss:$0x81] =	vst.msk $0xffff, v0;
	(pc) =	sbr.rel @p1 .LBB1_3-.Ltmp3, $4  }
0x36: {  	v0 =	vld [tilespmem:s18+$0x0];
	[tilespmem:s15+$0x0 ss:$0x81] =	vst.msk $0xffff, v1  }
0x37: {  	s15 =	sshra.s32 s19, $0x2;
	v1 =	vld [tilespmem:s18+$0xFFFFFFE0]  }
0x38: {  	s15 =	sadd.s32 s15, s16  }
0x39: {  	s18 =	sadd.s32 $0x40, s18;
	[tilespmem:s15+$0x1830 ss:$0x81] =	vst.msk $0xffff, v3  }
.Ltmp4:
0x3a: {  	_ = 	snop;
	(pc) =	sbr.rel .LBB1_4-.Ltmp4, $1  }
0x3b: {  	_ =	sdelay $0x3  }
.LBB1_6:
0x3c: {  	_ =	sfence.sel $0x180000  }
0x3d: {  	s2 =	simm.s32 $0x1;
	[bflag:$0x0] =	sbarrier.arrive $0xFFFF  }
0x3e: {  	s31 =	simm.s32 $0x2;
	[sflag:s2] =	ssyncpa.u1 $0x1  }
0x3f: {  	[sflag:s31] =	ssyncpa.u1 $0x1  }
0x40: {  	p0 =	sne.s32 s0, $0x0;
	_ =	strace $0x9000004D  }
0x41: {  	s0 =	sadd.s32 @!p0 $0x100000, s1;
	[bflag:$0x2] =	sbarrier.arrive $0xFFFF  }
0x42: {  	[sflag:s0] =	ssyncadd.tile.s32 @!p0 $0x1;
	_ =	shalt  }
.Lfunc_end1:
_tile_overlayer_lowered:
.L_overlay_start_2:
0x43: {  	(tag) =	ssettag $0x2  }
0x44: {  	s0 =	rddreg [dreg:$0x0];
	s2 =	stileid.u32  }
0x45: {  	s1 =	rddreg [dreg:$0x1];
	p0 =	sne.s32 s2, $0x0  }
0x46: {  	s3 =	rddreg [dreg:$0x2];
	[bflag:$0x3] =	sbarrier.arrive $0xFFFF;
	s2 =	simm.s32 @!p0 $0x1C01  }
0x47: {  	[timem:s3], [sflag:s2] =	dma.local @!p0 [hbm:s0], s1  }
0x48: {  	s0 =	simm.s32 @!p0 $0x1  }
0x49: {  	_ =	swait.ge @!p0 [sflag:s0], s1  }
0x4a: {  	s1 =	ssub.s32 @!p0 $0x0, s1;
	[sflag:s0] =	ssyncset.done @!p0 $0x0  }
0x4b: {  	[sflag:s0] =	ssyncadd.s32 @!p0 s1  }
0x4c: {  	[bflag:$0x3] =	sbarrier.arrive $0xFFFF  }
0x4d: {  	_ =	shalt  }

</sc_bundles>
